<compile_context>
chip_gen: v7x
topology: tpu7x:2x2x1
jax: 0.10.2.dev20260603
libtpu: 0.0.44.dev20260713+nightly
codegen_flags: <defaults>
</compile_context>

<pallas_src>
import functools

import jax
import jax.numpy as jnp
from jax import lax
from jax.experimental import pallas as pl
from jax.experimental.pallas import tpu as pltpu
from jax.experimental.pallas import tpu_sc as plsc

K = 8192
D = 64
BETA = 0.25

B_BATCH = 8
TOK_PER_BATCH = 1024
N_TOK = B_BATCH * TOK_PER_BATCH

NC = 2
NS = 16
NW = NC * NS
B_PER_W = N_TOK // NW
CHUNK = 128
N_CHUNK = B_PER_W // CHUNK
K_PER_TILE = K // NS


DPAD = 128


def _sc_gather_count(idx, W_pad):
    mesh = plsc.VectorSubcoreMesh(core_axis_name="c", subcore_axis_name="s")

    @functools.partial(
        pl.kernel,
        out_type=(
            jax.ShapeDtypeStruct((N_TOK, DPAD), jnp.float32),
            jax.ShapeDtypeStruct((NC, K), jnp.float32),
        ),
        mesh=mesh,
        scratch_types=[
            pltpu.VMEM((N_CHUNK, CHUNK), jnp.int32),
            pltpu.VMEM((N_CHUNK, CHUNK, DPAD), jnp.float32),
            pltpu.VMEM((N_CHUNK, CHUNK), jnp.float32),
            pltpu.VMEM((K_PER_TILE,), jnp.float32),
            pltpu.VMEM_SHARED((K,), jnp.float32),
            pltpu.SemaphoreType.DMA,
        ],
    )
    def k(idx_hbm, w_hbm, zq_hbm, cnt_hbm,
          idx_v, rows_v, ones_v, zero_v, shared_cnt, sem):
        c = lax.axis_index("c")
        s = lax.axis_index("s")
        wid = c * NS + s
        base = wid * B_PER_W

        for j in range(N_CHUNK):
            pltpu.sync_copy(idx_hbm.at[pl.ds(base + j * CHUNK, CHUNK)],
                            idx_v.at[j])

        for i in range(K_PER_TILE // 16):
            zero_v[pl.ds(i * 16, 16)] = jnp.zeros((16,), jnp.float32)
        pltpu.sync_copy(zero_v, shared_cnt.at[pl.ds(s * K_PER_TILE, K_PER_TILE)])

        copies = [pltpu.async_copy(w_hbm.at[idx_v.at[j]], rows_v.at[j], sem)
                  for j in range(N_CHUNK)]
        for cp in copies:
            cp.wait()
        for j in range(N_CHUNK):
            pltpu.sync_copy(rows_v.at[j],
                            zq_hbm.at[pl.ds(base + j * CHUNK, CHUNK)])

        for j in range(N_CHUNK):
            for i in range(CHUNK // 16):
                ones_v[j, pl.ds(i * 16, 16)] = jnp.ones((16,), jnp.float32)
        plsc.subcore_barrier()
        for j in range(N_CHUNK):
            pltpu.sync_copy(ones_v.at[j], shared_cnt.at[idx_v.at[j]], add=True)
        plsc.subcore_barrier()
        pltpu.sync_copy(shared_cnt.at[pl.ds(s * K_PER_TILE, K_PER_TILE)],
                        cnt_hbm.at[c, pl.ds(s * K_PER_TILE, K_PER_TILE)])

    return k(idx, W_pad)


def _final_body(z_ref, zq_ref, zqt_ref, cnt_ref, out_ref, loss_ref, perp_ref,
                acc):
    step = pl.program_id(0)

    @pl.when(step < B_BATCH)
    def _():
        zb = z_ref[0]
        zqt = jnp.transpose(zq_ref[0], (1, 0))[:D]
        diff = zqt - zb
        out_ref[0] = zb + diff
        dq = jnp.transpose(zqt_ref[0], (1, 0)) - zb
        part = jnp.sum(dq * dq)

        @pl.when(step == 0)
        def _():
            acc[0] = part

        @pl.when(step > 0)
        def _():
            acc[0] = acc[0] + part

    @pl.when(step == B_BATCH)
    def _():
        loss_ref[0, 0] = (1.0 + BETA) * acc[0] / jnp.float32(N_TOK * D)
        ct = cnt_ref[0:1, :] + cnt_ref[1:2, :]
        total = jnp.sum(ct)
        p = ct / jnp.maximum(total, 1.0)
        ent = jnp.sum(p * jnp.log(p + 1e-10))
        perp_ref[0, 0] = jnp.exp(-ent)


def _final_call(zr, zqf, zqt, cnt):
    return pl.pallas_call(
        _final_body,
        grid=(B_BATCH + 1,),
        in_specs=[
            pl.BlockSpec((1, D, TOK_PER_BATCH),
                         lambda s: (jnp.minimum(s, B_BATCH - 1), 0, 0)),
            pl.BlockSpec((1, TOK_PER_BATCH, DPAD),
                         lambda s: (jnp.minimum(s, B_BATCH - 1), 0, 0)),
            pl.BlockSpec((1, TOK_PER_BATCH, D),
                         lambda s: (jnp.minimum(s, B_BATCH - 1), 0, 0)),
            pl.BlockSpec((NC, K), lambda s: (0, 0)),
        ],
        out_specs=[
            pl.BlockSpec((1, D, TOK_PER_BATCH),
                         lambda s: (jnp.minimum(s, B_BATCH - 1), 0, 0)),
            pl.BlockSpec(memory_space=pltpu.SMEM),
            pl.BlockSpec(memory_space=pltpu.SMEM),
        ],
        out_shape=[
            jax.ShapeDtypeStruct((B_BATCH, D, TOK_PER_BATCH), jnp.float32),
            jax.ShapeDtypeStruct((1, 1), jnp.float32),
            jax.ShapeDtypeStruct((1, 1), jnp.float32),
        ],
        scratch_shapes=[pltpu.SMEM((1,), jnp.float32)],
    )(zr, zqf, zqt, cnt)


def kernel(z, W):
    zr = z.reshape(B_BATCH, D, TOK_PER_BATCH)

    zw = jnp.transpose(z, (0, 2, 3, 1))
    zf = zw.reshape(-1, D)
    dmat = (jnp.sum(zf ** 2, axis=1, keepdims=True)
            + jnp.sum(W ** 2, axis=1)
            - 2.0 * jnp.einsum('bd,dn->bn', zf, W.T))
    idx = jnp.argmin(dmat, axis=1)
    zq_take = jnp.take(W, idx, axis=0)

    W_pad = jnp.pad(W, ((0, 0), (0, DPAD - D)))
    zq_flat, cnt = _sc_gather_count(idx, W_pad)
    zqf = zq_flat.reshape(B_BATCH, TOK_PER_BATCH, DPAD)
    zqt = zq_take.reshape(B_BATCH, TOK_PER_BATCH, D)
    zq_out, loss, perp = _final_call(zr, zqf, zqt, cnt)
    return (
        zq_out.reshape(z.shape),
        loss.reshape(()),
        perp.reshape(()),
        idx,
    )

# --- scband reference (transcript-rebuilt; emitter-appended) ---
"""Pipeline reference for scband-vector-quantizer2-79250736546256 (READ-ONLY COPY).

The authoritative reference and input builder live on the scoring server;
editing this copy changes nothing except your own understanding.
"""

import jax, jax.numpy as jnp
import numpy as np

K = 8192
D = 64
BETA = 0.25

def setup_inputs(seed: int = 0) -> dict:
    key = jax.random.key(seed)
    k1, k2 = jax.random.split(key)
    z = jax.random.normal(k1, (8, 64, 32, 32), dtype=jnp.float32)
    # embedding table initialized uniform(-1/K, 1/K) like the torch module
    W = jax.random.uniform(k2, (K, D), dtype=jnp.float32, minval=-1.0 / K, maxval=1.0 / K)
    return {"z": z, "W": W}

def reference(z, W):
    # b c h w -> b h w c
    zw = jnp.transpose(z, (0, 2, 3, 1))
    flat_shape = zw.shape[:-1]
    zf = zw.reshape(-1, D)
    # squared euclidean distances to every code
    d = (jnp.sum(zf ** 2, axis=1, keepdims=True)
         + jnp.sum(W ** 2, axis=1)
         - 2.0 * jnp.einsum('bd,dn->bn', zf, W.T))
    min_encoding_indices = jnp.argmin(d, axis=1)
    # usage counts (eval-mode path of _update_usage_and_maybe_refresh_codes)
    counts = jnp.bincount(min_encoding_indices, length=K).astype(jnp.float32)
    z_q = jnp.take(W, min_encoding_indices, axis=0).reshape(flat_shape + (D,))
    avg_probs = counts / jnp.maximum(counts.sum(), 1.0)
    perplexity = jnp.exp(-jnp.sum(avg_probs * jnp.log(avg_probs + 1e-10)))
    # legacy=True loss
    loss = (jnp.mean((jax.lax.stop_gradient(z_q) - zw) ** 2)
            + BETA * jnp.mean((z_q - jax.lax.stop_gradient(zw)) ** 2))
    # straight-through estimator
    z_q = zw + jax.lax.stop_gradient(z_q - zw)
    # b h w c -> b c h w
    z_q = jnp.transpose(z_q, (0, 3, 1, 2))
    return (z_q, loss, perplexity, min_encoding_indices)

if __name__ == "__main__":
    import jax
    _d = setup_inputs()
    print(jax.jit(kernel)(*tuple(_d.values())))

</pallas_src>

<mosaic_0001>
#map = affine_map<(d0, d1) -> (0)>
#map1 = affine_map<(d0, d1) -> (0, 0)>
module attributes {stable_mosaic.version = 14 : i64} {
  func.func @k(%arg0: i32, %arg1: i32, %arg2: memref<8192xi32, #tpu.memory_space<hbm>>, %arg3: memref<8192x128xf32, #tpu.memory_space<hbm>>, %arg4: memref<8192x128xf32, #tpu.memory_space<hbm>>, %arg5: memref<2x8192xf32, #tpu.memory_space<hbm>>, %arg6: memref<2x128xi32, #tpu.memory_space<vmem>>, %arg7: memref<2x128x128xf32, #tpu.memory_space<vmem>>, %arg8: memref<2x128xf32, #tpu.memory_space<vmem>>, %arg9: memref<512xf32, #tpu.memory_space<vmem>>, %arg10: memref<8192xf32, #tpu.memory_space<vmem_shared>>, %arg11: memref<!tpu.dma_semaphore, #tpu.memory_space<semaphore_mem>>) attributes {dimension_semantics = [#tpu.dimension_semantics<core_parallel>, #tpu.dimension_semantics<subcore_parallel>], iteration_bounds = array<i64: 2, 16>, scalar_prefetch = 0 : i64, scratch_operands = 6 : i64, tpu.core_type = #tpu.core_type<sc_vector_subcore>, window_params = [{transform_indices = #map}, {transform_indices = #map1}, {transform_indices = #map1}, {transform_indices = #map1}]} {
    %mul3A = arith.constant 16 : i32
    %mul3A_0 = arith.muli %arg0, %mul3A : i32
    %add3A = arith.addi %mul3A_0, %arg1 : i32
    %mul3A_1 = arith.constant 256 : i32
    %mul3A_2 = arith.muli %add3A, %mul3A_1 : i32
    %add3A_3 = arith.constant 0 : i32
    %add3A_4 = arith.addi %mul3A_2, %add3A_3 : i32
    %run_scoped3A = arith.constant 0 : i32
    "tpu.region"() ({
      %run_scoped3A_389 = tpu.sem_alloc : memref<!tpu.dma_semaphore, #tpu.memory_space<semaphore_mem>>
      %dma_start3A_390 = arith.constant 0 : i32
      %dma_start3A_391 = tpu.memref_slice %arg6[%run_scoped3A, %dma_start3A_390] : memref<2x128xi32, #tpu.memory_space<vmem>> -> memref<1x128xi32, #tpu.memory_space<vmem>>
      %dma_start3A_392 = tpu.memref_squeeze %dma_start3A_391 : memref<1x128xi32, #tpu.memory_space<vmem>> -> memref<128xi32, #tpu.memory_space<vmem>>
      %dma_start3A_393 = tpu.memref_slice %arg2[%add3A_4] : memref<8192xi32, #tpu.memory_space<hbm>> -> memref<128xi32, #tpu.memory_space<hbm>>
      %dma_start3A_394 = arith.constant 0 : i32
      %dma_start3A_395 = tpu.memref_slice %arg6[%run_scoped3A, %dma_start3A_394] : memref<2x128xi32, #tpu.memory_space<vmem>> -> memref<1x128xi32, #tpu.memory_space<vmem>>
      %dma_start3A_396 = tpu.memref_squeeze %dma_start3A_395 : memref<1x128xi32, #tpu.memory_space<vmem>> -> memref<128xi32, #tpu.memory_space<vmem>>
      %dma_start3A_397 = tpu.memref_slice %arg2[%add3A_4] : memref<8192xi32, #tpu.memory_space<hbm>> -> memref<128xi32, #tpu.memory_space<hbm>>
      tpu.enqueue_dma source(%dma_start3A_397 : memref<128xi32, #tpu.memory_space<hbm>>) target(%dma_start3A_396 : memref<128xi32, #tpu.memory_space<vmem>>) target_semaphore(%run_scoped3A_389 : memref<!tpu.dma_semaphore, #tpu.memory_space<semaphore_mem>>)
      %dma_wait3A_398 = arith.constant 0 : i32
      %dma_wait3A_399 = tpu.memref_slice %arg6[%run_scoped3A, %dma_wait3A_398] : memref<2x128xi32, #tpu.memory_space<vmem>> -> memref<1x128xi32, #tpu.memory_space<vmem>>
      %dma_wait3A_400 = tpu.memref_squeeze %dma_wait3A_399 : memref<1x128xi32, #tpu.memory_space<vmem>> -> memref<128xi32, #tpu.memory_space<vmem>>
      %dma_wait3A_401 = tpu.memref_slice %arg2[%add3A_4] : memref<8192xi32, #tpu.memory_space<hbm>> -> memref<128xi32, #tpu.memory_space<hbm>>
      %dma_wait3A_402 = arith.constant 0 : i32
      %dma_wait3A_403 = tpu.memref_slice %arg6[%run_scoped3A, %dma_wait3A_402] : memref<2x128xi32, #tpu.memory_space<vmem>> -> memref<1x128xi32, #tpu.memory_space<vmem>>
      %dma_wait3A_404 = tpu.memref_squeeze %dma_wait3A_403 : memref<1x128xi32, #tpu.memory_space<vmem>> -> memref<128xi32, #tpu.memory_space<vmem>>
      %dma_wait3A_405 = tpu.memref_slice %arg2[%add3A_4] : memref<8192xi32, #tpu.memory_space<hbm>> -> memref<128xi32, #tpu.memory_space<hbm>>
      tpu.wait_dma2 semaphore(%run_scoped3A_389 : memref<!tpu.dma_semaphore, #tpu.memory_space<semaphore_mem>>) src(%dma_wait3A_405 : memref<128xi32, #tpu.memory_space<hbm>>) dst(%dma_wait3A_404 : memref<128xi32, #tpu.memory_space<vmem>>)
      tpu.yield
    }) : () -> ()
    %add3A_5 = arith.constant 128 : i32
    %add3A_6 = arith.addi %mul3A_2, %add3A_5 : i32
    %run_scoped3A_7 = arith.constant 1 : i32
    "tpu.region"() ({
      %run_scoped3A_389 = tpu.sem_alloc : memref<!tpu.dma_semaphore, #tpu.memory_space<semaphore_mem>>
      %dma_start3A_390 = arith.constant 0 : i32
      %dma_start3A_391 = tpu.memref_slice %arg6[%run_scoped3A_7, %dma_start3A_390] : memref<2x128xi32, #tpu.memory_space<vmem>> -> memref<1x128xi32, #tpu.memory_space<vmem>>
      %dma_start3A_392 = tpu.memref_squeeze %dma_start3A_391 : memref<1x128xi32, #tpu.memory_space<vmem>> -> memref<128xi32, #tpu.memory_space<vmem>>
      %dma_start3A_393 = tpu.memref_slice %arg2[%add3A_6] : memref<8192xi32, #tpu.memory_space<hbm>> -> memref<128xi32, #tpu.memory_space<hbm>>
      %dma_start3A_394 = arith.constant 0 : i32
      %dma_start3A_395 = tpu.memref_slice %arg6[%run_scoped3A_7, %dma_start3A_394] : memref<2x128xi32, #tpu.memory_space<vmem>> -> memref<1x128xi32, #tpu.memory_space<vmem>>
      %dma_start3A_396 = tpu.memref_squeeze %dma_start3A_395 : memref<1x128xi32, #tpu.memory_space<vmem>> -> memref<128xi32, #tpu.memory_space<vmem>>
      %dma_start3A_397 = tpu.memref_slice %arg2[%add3A_6] : memref<8192xi32, #tpu.memory_space<hbm>> -> memref<128xi32, #tpu.memory_space<hbm>>
      tpu.enqueue_dma source(%dma_start3A_397 : memref<128xi32, #tpu.memory_space<hbm>>) target(%dma_start3A_396 : memref<128xi32, #tpu.memory_space<vmem>>) target_semaphore(%run_scoped3A_389 : memref<!tpu.dma_semaphore, #tpu.memory_space<semaphore_mem>>)
      %dma_wait3A_398 = arith.constant 0 : i32
      %dma_wait3A_399 = tpu.memref_slice %arg6[%run_scoped3A_7, %dma_wait3A_398] : memref<2x128xi32, #tpu.memory_space<vmem>> -> memref<1x128xi32, #tpu.memory_space<vmem>>
      %dma_wait3A_400 = tpu.memref_squeeze %dma_wait3A_399 : memref<1x128xi32, #tpu.memory_space<vmem>> -> memref<128xi32, #tpu.memory_space<vmem>>
      %dma_wait3A_401 = tpu.memref_slice %arg2[%add3A_6] : memref<8192xi32, #tpu.memory_space<hbm>> -> memref<128xi32, #tpu.memory_space<hbm>>
      %dma_wait3A_402 = arith.constant 0 : i32
      %dma_wait3A_403 = tpu.memref_slice %arg6[%run_scoped3A_7, %dma_wait3A_402] : memref<2x128xi32, #tpu.memory_space<vmem>> -> memref<1x128xi32, #tpu.memory_space<vmem>>
      %dma_wait3A_404 = tpu.memref_squeeze %dma_wait3A_403 : memref<1x128xi32, #tpu.memory_space<vmem>> -> memref<128xi32, #tpu.memory_space<vmem>>
      %dma_wait3A_405 = tpu.memref_slice %arg2[%add3A_6] : memref<8192xi32, #tpu.memory_space<hbm>> -> memref<128xi32, #tpu.memory_space<hbm>>
      tpu.wait_dma2 semaphore(%run_scoped3A_389 : memref<!tpu.dma_semaphore, #tpu.memory_space<semaphore_mem>>) src(%dma_wait3A_405 : memref<128xi32, #tpu.memory_space<hbm>>) dst(%dma_wait3A_404 : memref<128xi32, #tpu.memory_space<vmem>>)
      tpu.yield
    }) : () -> ()
    %broadcast_in_dim3A = arith.constant 0.000000e+00 : f32
    %broadcast_in_dim3A_8 = vector.broadcast %broadcast_in_dim3A : f32 to vector<16xf32>
    %swap3A = arith.constant 0 : index
    %swap3A_9 = tpu.vector_load %arg9[%swap3A] {strides = array<i32>} : memref<512xf32, #tpu.memory_space<vmem>>, vector<16xf32>,
    %swap3A_10 = vector.shape_cast %swap3A_9 : vector<16xf32> to vector<16xf32>
    %swap3A_11 = vector.shape_cast %broadcast_in_dim3A_8 : vector<16xf32> to vector<16xf32>
    tpu.vector_store %arg9[%swap3A], %swap3A_11 {strides = array<i32>} : memref<512xf32, #tpu.memory_space<vmem>>, vector<16xf32>,
    %broadcast_in_dim3A_12 = arith.constant 0.000000e+00 : f32
    %broadcast_in_dim3A_13 = vector.broadcast %broadcast_in_dim3A_12 : f32 to vector<16xf32>
    %swap3A_14 = arith.constant 16 : index
    %swap3A_15 = tpu.vector_load %arg9[%swap3A_14] {strides = array<i32>} : memref<512xf32, #tpu.memory_space<vmem>>, vector<16xf32>,
    %swap3A_16 = vector.shape_cast %swap3A_15 : vector<16xf32> to vector<16xf32>
    %swap3A_17 = vector.shape_cast %broadcast_in_dim3A_13 : vector<16xf32> to vector<16xf32>
    tpu.vector_store %arg9[%swap3A_14], %swap3A_17 {strides = array<i32>} : memref<512xf32, #tpu.memory_space<vmem>>, vector<16xf32>,
    %broadcast_in_dim3A_18 = arith.constant 0.000000e+00 : f32
    %broadcast_in_dim3A_19 = vector.broadcast %broadcast_in_dim3A_18 : f32 to vector<16xf32>
    %swap3A_20 = arith.constant 32 : index
    %swap3A_21 = tpu.vector_load %arg9[%swap3A_20] {strides = array<i32>} : memref<512xf32, #tpu.memory_space<vmem>>, vector<16xf32>,
    %swap3A_22 = vector.shape_cast %swap3A_21 : vector<16xf32> to vector<16xf32>
    %swap3A_23 = vector.shape_cast %broadcast_in_dim3A_19 : vector<16xf32> to vector<16xf32>
    tpu.vector_store %arg9[%swap3A_20], %swap3A_23 {strides = array<i32>} : memref<512xf32, #tpu.memory_space<vmem>>, vector<16xf32>,
    %broadcast_in_dim3A_24 = arith.constant 0.000000e+00 : f32
    %broadcast_in_dim3A_25 = vector.broadcast %broadcast_in_dim3A_24 : f32 to vector<16xf32>
    %swap3A_26 = arith.constant 48 : index
    %swap3A_27 = tpu.vector_load %arg9[%swap3A_26] {strides = array<i32>} : memref<512xf32, #tpu.memory_space<vmem>>, vector<16xf32>,
    %swap3A_28 = vector.shape_cast %swap3A_27 : vector<16xf32> to vector<16xf32>
    %swap3A_29 = vector.shape_cast %broadcast_in_dim3A_25 : vector<16xf32> to vector<16xf32>
    tpu.vector_store %arg9[%swap3A_26], %swap3A_29 {strides = array<i32>} : memref<512xf32, #tpu.memory_space<vmem>>, vector<16xf32>,
    %broadcast_in_dim3A_30 = arith.constant 0.000000e+00 : f32
    %broadcast_in_dim3A_31 = vector.broadcast %broadcast_in_dim3A_30 : f32 to vector<16xf32>
    %swap3A_32 = arith.constant 64 : index
    %swap3A_33 = tpu.vector_load %arg9[%swap3A_32] {strides = array<i32>} : memref<512xf32, #tpu.memory_space<vmem>>, vector<16xf32>,
    %swap3A_34 = vector.shape_cast %swap3A_33 : vector<16xf32> to vector<16xf32>
    %swap3A_35 = vector.shape_cast %broadcast_in_dim3A_31 : vector<16xf32> to vector<16xf32>
    tpu.vector_store %arg9[%swap3A_32], %swap3A_35 {strides = array<i32>} : memref<512xf32, #tpu.memory_space<vmem>>, vector<16xf32>,
    %broadcast_in_dim3A_36 = arith.constant 0.000000e+00 : f32
    %broadcast_in_dim3A_37 = vector.broadcast %broadcast_in_dim3A_36 : f32 to vector<16xf32>
    %swap3A_38 = arith.constant 80 : index
    %swap3A_39 = tpu.vector_load %arg9[%swap3A_38] {strides = array<i32>} : memref<512xf32, #tpu.memory_space<vmem>>, vector<16xf32>,
    %swap3A_40 = vector.shape_cast %swap3A_39 : vector<16xf32> to vector<16xf32>
    %swap3A_41 = vector.shape_cast %broadcast_in_dim3A_37 : vector<16xf32> to vector<16xf32>
    tpu.vector_store %arg9[%swap3A_38], %swap3A_41 {strides = array<i32>} : memref<512xf32, #tpu.memory_space<vmem>>, vector<16xf32>,
    %broadcast_in_dim3A_42 = arith.constant 0.000000e+00 : f32
    %broadcast_in_dim3A_43 = vector.broadcast %broadcast_in_dim3A_42 : f32 to vector<16xf32>
    %swap3A_44 = arith.constant 96 : index
    %swap3A_45 = tpu.vector_load %arg9[%swap3A_44] {strides = array<i32>} : memref<512xf32, #tpu.memory_space<vmem>>, vector<16xf32>,
    %swap3A_46 = vector.shape_cast %swap3A_45 : vector<16xf32> to vector<16xf32>
    %swap3A_47 = vector.shape_cast %broadcast_in_dim3A_43 : vector<16xf32> to vector<16xf32>
    tpu.vector_store %arg9[%swap3A_44], %swap3A_47 {strides = array<i32>} : memref<512xf32, #tpu.memory_space<vmem>>, vector<16xf32>,
    %broadcast_in_dim3A_48 = arith.constant 0.000000e+00 : f32
    %broadcast_in_dim3A_49 = vector.broadcast %broadcast_in_dim3A_48 : f32 to vector<16xf32>
    %swap3A_50 = arith.constant 112 : index
    %swap3A_51 = tpu.vector_load %arg9[%swap3A_50] {strides = array<i32>} : memref<512xf32, #tpu.memory_space<vmem>>, vector<16xf32>,
    %swap3A_52 = vector.shape_cast %swap3A_51 : vector<16xf32> to vector<16xf32>
    %swap3A_53 = vector.shape_cast %broadcast_in_dim3A_49 : vector<16xf32> to vector<16xf32>
    tpu.vector_store %arg9[%swap3A_50], %swap3A_53 {strides = array<i32>} : memref<512xf32, #tpu.memory_space<vmem>>, vector<16xf32>,
    %broadcast_in_dim3A_54 = arith.constant 0.000000e+00 : f32
    %broadcast_in_dim3A_55 = vector.broadcast %broadcast_in_dim3A_54 : f32 to vector<16xf32>
    %swap3A_56 = arith.constant 128 : index
    %swap3A_57 = tpu.vector_load %arg9[%swap3A_56] {strides = array<i32>} : memref<512xf32, #tpu.memory_space<vmem>>, vector<16xf32>,
    %swap3A_58 = vector.shape_cast %swap3A_57 : vector<16xf32> to vector<16xf32>
    %swap3A_59 = vector.shape_cast %broadcast_in_dim3A_55 : vector<16xf32> to vector<16xf32>
    tpu.vector_store %arg9[%swap3A_56], %swap3A_59 {strides = array<i32>} : memref<512xf32, #tpu.memory_space<vmem>>, vector<16xf32>,
    %broadcast_in_dim3A_60 = arith.constant 0.000000e+00 : f32
    %broadcast_in_dim3A_61 = vector.broadcast %broadcast_in_dim3A_60 : f32 to vector<16xf32>
    %swap3A_62 = arith.constant 144 : index
    %swap3A_63 = tpu.vector_load %arg9[%swap3A_62] {strides = array<i32>} : memref<512xf32, #tpu.memory_space<vmem>>, vector<16xf32>,
    %swap3A_64 = vector.shape_cast %swap3A_63 : vector<16xf32> to vector<16xf32>
    %swap3A_65 = vector.shape_cast %broadcast_in_dim3A_61 : vector<16xf32> to vector<16xf32>
    tpu.vector_store %arg9[%swap3A_62], %swap3A_65 {strides = array<i32>} : memref<512xf32, #tpu.memory_space<vmem>>, vector<16xf32>,
    %broadcast_in_dim3A_66 = arith.constant 0.000000e+00 : f32
    %broadcast_in_dim3A_67 = vector.broadcast %broadcast_in_dim3A_66 : f32 to vector<16xf32>
    %swap3A_68 = arith.constant 160 : index
    %swap3A_69 = tpu.vector_load %arg9[%swap3A_68] {strides = array<i32>} : memref<512xf32, #tpu.memory_space<vmem>>, vector<16xf32>,
    %swap3A_70 = vector.shape_cast %swap3A_69 : vector<16xf32> to vector<16xf32>
    %swap3A_71 = vector.shape_cast %broadcast_in_dim3A_67 : vector<16xf32> to vector<16xf32>
    tpu.vector_store %arg9[%swap3A_68], %swap3A_71 {strides = array<i32>} : memref<512xf32, #tpu.memory_space<vmem>>, vector<16xf32>,
    %broadcast_in_dim3A_72 = arith.constant 0.000000e+00 : f32
    %broadcast_in_dim3A_73 = vector.broadcast %broadcast_in_dim3A_72 : f32 to vector<16xf32>
    %swap3A_74 = arith.constant 176 : index
    %swap3A_75 = tpu.vector_load %arg9[%swap3A_74] {strides = array<i32>} : memref<512xf32, #tpu.memory_space<vmem>>, vector<16xf32>,
    %swap3A_76 = vector.shape_cast %swap3A_75 : vector<16xf32> to vector<16xf32>
    %swap3A_77 = vector.shape_cast %broadcast_in_dim3A_73 : vector<16xf32> to vector<16xf32>
    tpu.vector_store %arg9[%swap3A_74], %swap3A_77 {strides = array<i32>} : memref<512xf32, #tpu.memory_space<vmem>>, vector<16xf32>,
    %broadcast_in_dim3A_78 = arith.constant 0.000000e+00 : f32
    %broadcast_in_dim3A_79 = vector.broadcast %broadcast_in_dim3A_78 : f32 to vector<16xf32>
    %swap3A_80 = arith.constant 192 : index
    %swap3A_81 = tpu.vector_load %arg9[%swap3A_80] {strides = array<i32>} : memref<512xf32, #tpu.memory_space<vmem>>, vector<16xf32>,
    %swap3A_82 = vector.shape_cast %swap3A_81 : vector<16xf32> to vector<16xf32>
    %swap3A_83 = vector.shape_cast %broadcast_in_dim3A_79 : vector<16xf32> to vector<16xf32>
    tpu.vector_store %arg9[%swap3A_80], %swap3A_83 {strides = array<i32>} : memref<512xf32, #tpu.memory_space<vmem>>, vector<16xf32>,
    %broadcast_in_dim3A_84 = arith.constant 0.000000e+00 : f32
    %broadcast_in_dim3A_85 = vector.broadcast %broadcast_in_dim3A_84 : f32 to vector<16xf32>
    %swap3A_86 = arith.constant 208 : index
    %swap3A_87 = tpu.vector_load %arg9[%swap3A_86] {strides = array<i32>} : memref<512xf32, #tpu.memory_space<vmem>>, vector<16xf32>,
    %swap3A_88 = vector.shape_cast %swap3A_87 : vector<16xf32> to vector<16xf32>
    %swap3A_89 = vector.shape_cast %broadcast_in_dim3A_85 : vector<16xf32> to vector<16xf32>
    tpu.vector_store %arg9[%swap3A_86], %swap3A_89 {strides = array<i32>} : memref<512xf32, #tpu.memory_space<vmem>>, vector<16xf32>,
    %broadcast_in_dim3A_90 = arith.constant 0.000000e+00 : f32
    %broadcast_in_dim3A_91 = vector.broadcast %broadcast_in_dim3A_90 : f32 to vector<16xf32>
    %swap3A_92 = arith.constant 224 : index
    %swap3A_93 = tpu.vector_load %arg9[%swap3A_92] {strides = array<i32>} : memref<512xf32, #tpu.memory_space<vmem>>, vector<16xf32>,
    %swap3A_94 = vector.shape_cast %swap3A_93 : vector<16xf32> to vector<16xf32>
    %swap3A_95 = vector.shape_cast %broadcast_in_dim3A_91 : vector<16xf32> to vector<16xf32>
    tpu.vector_store %arg9[%swap3A_92], %swap3A_95 {strides = array<i32>} : memref<512xf32, #tpu.memory_space<vmem>>, vector<16xf32>,
    %broadcast_in_dim3A_96 = arith.constant 0.000000e+00 : f32
    %broadcast_in_dim3A_97 = vector.broadcast %broadcast_in_dim3A_96 : f32 to vector<16xf32>
    %swap3A_98 = arith.constant 240 : index
    %swap3A_99 = tpu.vector_load %arg9[%swap3A_98] {strides = array<i32>} : memref<512xf32, #tpu.memory_space<vmem>>, vector<16xf32>,
    %swap3A_100 = vector.shape_cast %swap3A_99 : vector<16xf32> to vector<16xf32>
    %swap3A_101 = vector.shape_cast %broadcast_in_dim3A_97 : vector<16xf32> to vector<16xf32>
    tpu.vector_store %arg9[%swap3A_98], %swap3A_101 {strides = array<i32>} : memref<512xf32, #tpu.memory_space<vmem>>, vector<16xf32>,
    %broadcast_in_dim3A_102 = arith.constant 0.000000e+00 : f32
    %broadcast_in_dim3A_103 = vector.broadcast %broadcast_in_dim3A_102 : f32 to vector<16xf32>
    %swap3A_104 = arith.constant 256 : index
    %swap3A_105 = tpu.vector_load %arg9[%swap3A_104] {strides = array<i32>} : memref<512xf32, #tpu.memory_space<vmem>>, vector<16xf32>,
    %swap3A_106 = vector.shape_cast %swap3A_105 : vector<16xf32> to vector<16xf32>
    %swap3A_107 = vector.shape_cast %broadcast_in_dim3A_103 : vector<16xf32> to vector<16xf32>
    tpu.vector_store %arg9[%swap3A_104], %swap3A_107 {strides = array<i32>} : memref<512xf32, #tpu.memory_space<vmem>>, vector<16xf32>,
    %broadcast_in_dim3A_108 = arith.constant 0.000000e+00 : f32
    %broadcast_in_dim3A_109 = vector.broadcast %broadcast_in_dim3A_108 : f32 to vector<16xf32>
    %swap3A_110 = arith.constant 272 : index
    %swap3A_111 = tpu.vector_load %arg9[%swap3A_110] {strides = array<i32>} : memref<512xf32, #tpu.memory_space<vmem>>, vector<16xf32>,
    %swap3A_112 = vector.shape_cast %swap3A_111 : vector<16xf32> to vector<16xf32>
    %swap3A_113 = vector.shape_cast %broadcast_in_dim3A_109 : vector<16xf32> to vector<16xf32>
    tpu.vector_store %arg9[%swap3A_110], %swap3A_113 {strides = array<i32>} : memref<512xf32, #tpu.memory_space<vmem>>, vector<16xf32>,
    %broadcast_in_dim3A_114 = arith.constant 0.000000e+00 : f32
    %broadcast_in_dim3A_115 = vector.broadcast %broadcast_in_dim3A_114 : f32 to vector<16xf32>
    %swap3A_116 = arith.constant 288 : index
    %swap3A_117 = tpu.vector_load %arg9[%swap3A_116] {strides = array<i32>} : memref<512xf32, #tpu.memory_space<vmem>>, vector<16xf32>,
    %swap3A_118 = vector.shape_cast %swap3A_117 : vector<16xf32> to vector<16xf32>
    %swap3A_119 = vector.shape_cast %broadcast_in_dim3A_115 : vector<16xf32> to vector<16xf32>
    tpu.vector_store %arg9[%swap3A_116], %swap3A_119 {strides = array<i32>} : memref<512xf32, #tpu.memory_space<vmem>>, vector<16xf32>,
    %broadcast_in_dim3A_120 = arith.constant 0.000000e+00 : f32
    %broadcast_in_dim3A_121 = vector.broadcast %broadcast_in_dim3A_120 : f32 to vector<16xf32>
    %swap3A_122 = arith.constant 304 : index
    %swap3A_123 = tpu.vector_load %arg9[%swap3A_122] {strides = array<i32>} : memref<512xf32, #tpu.memory_space<vmem>>, vector<16xf32>,
    %swap3A_124 = vector.shape_cast %swap3A_123 : vector<16xf32> to vector<16xf32>
    %swap3A_125 = vector.shape_cast %broadcast_in_dim3A_121 : vector<16xf32> to vector<16xf32>
    tpu.vector_store %arg9[%swap3A_122], %swap3A_125 {strides = array<i32>} : memref<512xf32, #tpu.memory_space<vmem>>, vector<16xf32>,
    %broadcast_in_dim3A_126 = arith.constant 0.000000e+00 : f32
    %broadcast_in_dim3A_127 = vector.broadcast %broadcast_in_dim3A_126 : f32 to vector<16xf32>
    %swap3A_128 = arith.constant 320 : index
    %swap3A_129 = tpu.vector_load %arg9[%swap3A_128] {strides = array<i32>} : memref<512xf32, #tpu.memory_space<vmem>>, vector<16xf32>,
    %swap3A_130 = vector.shape_cast %swap3A_129 : vector<16xf32> to vector<16xf32>
    %swap3A_131 = vector.shape_cast %broadcast_in_dim3A_127 : vector<16xf32> to vector<16xf32>
    tpu.vector_store %arg9[%swap3A_128], %swap3A_131 {strides = array<i32>} : memref<512xf32, #tpu.memory_space<vmem>>, vector<16xf32>,
    %broadcast_in_dim3A_132 = arith.constant 0.000000e+00 : f32
    %broadcast_in_dim3A_133 = vector.broadcast %broadcast_in_dim3A_132 : f32 to vector<16xf32>
    %swap3A_134 = arith.constant 336 : index
    %swap3A_135 = tpu.vector_load %arg9[%swap3A_134] {strides = array<i32>} : memref<512xf32, #tpu.memory_space<vmem>>, vector<16xf32>,
    %swap3A_136 = vector.shape_cast %swap3A_135 : vector<16xf32> to vector<16xf32>
    %swap3A_137 = vector.shape_cast %broadcast_in_dim3A_133 : vector<16xf32> to vector<16xf32>
    tpu.vector_store %arg9[%swap3A_134], %swap3A_137 {strides = array<i32>} : memref<512xf32, #tpu.memory_space<vmem>>, vector<16xf32>,
    %broadcast_in_dim3A_138 = arith.constant 0.000000e+00 : f32
    %broadcast_in_dim3A_139 = vector.broadcast %broadcast_in_dim3A_138 : f32 to vector<16xf32>
    %swap3A_140 = arith.constant 352 : index
    %swap3A_141 = tpu.vector_load %arg9[%swap3A_140] {strides = array<i32>} : memref<512xf32, #tpu.memory_space<vmem>>, vector<16xf32>,
    %swap3A_142 = vector.shape_cast %swap3A_141 : vector<16xf32> to vector<16xf32>
    %swap3A_143 = vector.shape_cast %broadcast_in_dim3A_139 : vector<16xf32> to vector<16xf32>
    tpu.vector_store %arg9[%swap3A_140], %swap3A_143 {strides = array<i32>} : memref<512xf32, #tpu.memory_space<vmem>>, vector<16xf32>,
    %broadcast_in_dim3A_144 = arith.constant 0.000000e+00 : f32
    %broadcast_in_dim3A_145 = vector.broadcast %broadcast_in_dim3A_144 : f32 to vector<16xf32>
    %swap3A_146 = arith.constant 368 : index
    %swap3A_147 = tpu.vector_load %arg9[%swap3A_146] {strides = array<i32>} : memref<512xf32, #tpu.memory_space<vmem>>, vector<16xf32>,
    %swap3A_148 = vector.shape_cast %swap3A_147 : vector<16xf32> to vector<16xf32>
    %swap3A_149 = vector.shape_cast %broadcast_in_dim3A_145 : vector<16xf32> to vector<16xf32>
    tpu.vector_store %arg9[%swap3A_146], %swap3A_149 {strides = array<i32>} : memref<512xf32, #tpu.memory_space<vmem>>, vector<16xf32>,
    %broadcast_in_dim3A_150 = arith.constant 0.000000e+00 : f32
    %broadcast_in_dim3A_151 = vector.broadcast %broadcast_in_dim3A_150 : f32 to vector<16xf32>
    %swap3A_152 = arith.constant 384 : index
    %swap3A_153 = tpu.vector_load %arg9[%swap3A_152] {strides = array<i32>} : memref<512xf32, #tpu.memory_space<vmem>>, vector<16xf32>,
    %swap3A_154 = vector.shape_cast %swap3A_153 : vector<16xf32> to vector<16xf32>
    %swap3A_155 = vector.shape_cast %broadcast_in_dim3A_151 : vector<16xf32> to vector<16xf32>
    tpu.vector_store %arg9[%swap3A_152], %swap3A_155 {strides = array<i32>} : memref<512xf32, #tpu.memory_space<vmem>>, vector<16xf32>,
    %broadcast_in_dim3A_156 = arith.constant 0.000000e+00 : f32
    %broadcast_in_dim3A_157 = vector.broadcast %broadcast_in_dim3A_156 : f32 to vector<16xf32>
    %swap3A_158 = arith.constant 400 : index
    %swap3A_159 = tpu.vector_load %arg9[%swap3A_158] {strides = array<i32>} : memref<512xf32, #tpu.memory_space<vmem>>, vector<16xf32>,
    %swap3A_160 = vector.shape_cast %swap3A_159 : vector<16xf32> to vector<16xf32>
    %swap3A_161 = vector.shape_cast %broadcast_in_dim3A_157 : vector<16xf32> to vector<16xf32>
    tpu.vector_store %arg9[%swap3A_158], %swap3A_161 {strides = array<i32>} : memref<512xf32, #tpu.memory_space<vmem>>, vector<16xf32>,
    %broadcast_in_dim3A_162 = arith.constant 0.000000e+00 : f32
    %broadcast_in_dim3A_163 = vector.broadcast %broadcast_in_dim3A_162 : f32 to vector<16xf32>
    %swap3A_164 = arith.constant 416 : index
    %swap3A_165 = tpu.vector_load %arg9[%swap3A_164] {strides = array<i32>} : memref<512xf32, #tpu.memory_space<vmem>>, vector<16xf32>,
    %swap3A_166 = vector.shape_cast %swap3A_165 : vector<16xf32> to vector<16xf32>
    %swap3A_167 = vector.shape_cast %broadcast_in_dim3A_163 : vector<16xf32> to vector<16xf32>
    tpu.vector_store %arg9[%swap3A_164], %swap3A_167 {strides = array<i32>} : memref<512xf32, #tpu.memory_space<vmem>>, vector<16xf32>,
    %broadcast_in_dim3A_168 = arith.constant 0.000000e+00 : f32
    %broadcast_in_dim3A_169 = vector.broadcast %broadcast_in_dim3A_168 : f32 to vector<16xf32>
    %swap3A_170 = arith.constant 432 : index
    %swap3A_171 = tpu.vector_load %arg9[%swap3A_170] {strides = array<i32>} : memref<512xf32, #tpu.memory_space<vmem>>, vector<16xf32>,
    %swap3A_172 = vector.shape_cast %swap3A_171 : vector<16xf32> to vector<16xf32>
    %swap3A_173 = vector.shape_cast %broadcast_in_dim3A_169 : vector<16xf32> to vector<16xf32>
    tpu.vector_store %arg9[%swap3A_170], %swap3A_173 {strides = array<i32>} : memref<512xf32, #tpu.memory_space<vmem>>, vector<16xf32>,
    %broadcast_in_dim3A_174 = arith.constant 0.000000e+00 : f32
    %broadcast_in_dim3A_175 = vector.broadcast %broadcast_in_dim3A_174 : f32 to vector<16xf32>
    %swap3A_176 = arith.constant 448 : index
    %swap3A_177 = tpu.vector_load %arg9[%swap3A_176] {strides = array<i32>} : memref<512xf32, #tpu.memory_space<vmem>>, vector<16xf32>,
    %swap3A_178 = vector.shape_cast %swap3A_177 : vector<16xf32> to vector<16xf32>
    %swap3A_179 = vector.shape_cast %broadcast_in_dim3A_175 : vector<16xf32> to vector<16xf32>
    tpu.vector_store %arg9[%swap3A_176], %swap3A_179 {strides = array<i32>} : memref<512xf32, #tpu.memory_space<vmem>>, vector<16xf32>,
    %broadcast_in_dim3A_180 = arith.constant 0.000000e+00 : f32
    %broadcast_in_dim3A_181 = vector.broadcast %broadcast_in_dim3A_180 : f32 to vector<16xf32>
    %swap3A_182 = arith.constant 464 : index
    %swap3A_183 = tpu.vector_load %arg9[%swap3A_182] {strides = array<i32>} : memref<512xf32, #tpu.memory_space<vmem>>, vector<16xf32>,
    %swap3A_184 = vector.shape_cast %swap3A_183 : vector<16xf32> to vector<16xf32>
    %swap3A_185 = vector.shape_cast %broadcast_in_dim3A_181 : vector<16xf32> to vector<16xf32>
    tpu.vector_store %arg9[%swap3A_182], %swap3A_185 {strides = array<i32>} : memref<512xf32, #tpu.memory_space<vmem>>, vector<16xf32>,
    %broadcast_in_dim3A_186 = arith.constant 0.000000e+00 : f32
    %broadcast_in_dim3A_187 = vector.broadcast %broadcast_in_dim3A_186 : f32 to vector<16xf32>
    %swap3A_188 = arith.constant 480 : index
    %swap3A_189 = tpu.vector_load %arg9[%swap3A_188] {strides = array<i32>} : memref<512xf32, #tpu.memory_space<vmem>>, vector<16xf32>,
    %swap3A_190 = vector.shape_cast %swap3A_189 : vector<16xf32> to vector<16xf32>
    %swap3A_191 = vector.shape_cast %broadcast_in_dim3A_187 : vector<16xf32> to vector<16xf32>
    tpu.vector_store %arg9[%swap3A_188], %swap3A_191 {strides = array<i32>} : memref<512xf32, #tpu.memory_space<vmem>>, vector<16xf32>,
    %broadcast_in_dim3A_192 = arith.constant 0.000000e+00 : f32
    %broadcast_in_dim3A_193 = vector.broadcast %broadcast_in_dim3A_192 : f32 to vector<16xf32>
    %swap3A_194 = arith.constant 496 : index
    %swap3A_195 = tpu.vector_load %arg9[%swap3A_194] {strides = array<i32>} : memref<512xf32, #tpu.memory_space<vmem>>, vector<16xf32>,
    %swap3A_196 = vector.shape_cast %swap3A_195 : vector<16xf32> to vector<16xf32>
    %swap3A_197 = vector.shape_cast %broadcast_in_dim3A_193 : vector<16xf32> to vector<16xf32>
    tpu.vector_store %arg9[%swap3A_194], %swap3A_197 {strides = array<i32>} : memref<512xf32, #tpu.memory_space<vmem>>, vector<16xf32>,
    %mul3A_198 = arith.constant 512 : i32
    %mul3A_199 = arith.muli %arg1, %mul3A_198 : i32
    "tpu.region"() ({
      %run_scoped3A_389 = tpu.sem_alloc : memref<!tpu.dma_semaphore, #tpu.memory_space<semaphore_mem>>
      %dma_start3A_390 = tpu.memref_slice %arg10[%mul3A_199] : memref<8192xf32, #tpu.memory_space<vmem_shared>> -> memref<512xf32, #tpu.memory_space<vmem_shared>>
      %dma_start3A_391 = tpu.memref_slice %arg10[%mul3A_199] : memref<8192xf32, #tpu.memory_space<vmem_shared>> -> memref<512xf32, #tpu.memory_space<vmem_shared>>
      tpu.enqueue_dma source(%arg9 : memref<512xf32, #tpu.memory_space<vmem>>) target(%dma_start3A_391 : memref<512xf32, #tpu.memory_space<vmem_shared>>) target_semaphore(%run_scoped3A_389 : memref<!tpu.dma_semaphore, #tpu.memory_space<semaphore_mem>>)
      %dma_wait3A_392 = tpu.memref_slice %arg10[%mul3A_199] : memref<8192xf32, #tpu.memory_space<vmem_shared>> -> memref<512xf32, #tpu.memory_space<vmem_shared>>
      %dma_wait3A_393 = tpu.memref_slice %arg10[%mul3A_199] : memref<8192xf32, #tpu.memory_space<vmem_shared>> -> memref<512xf32, #tpu.memory_space<vmem_shared>>
      tpu.wait_dma2 semaphore(%run_scoped3A_389 : memref<!tpu.dma_semaphore, #tpu.memory_space<semaphore_mem>>) src(%arg9 : memref<512xf32, #tpu.memory_space<vmem>>) dst(%dma_wait3A_393 : memref<512xf32, #tpu.memory_space<vmem_shared>>)
      tpu.yield
    }) : () -> ()
    %dma_start3A = arith.constant 0 : i32
    %dma_start3A_200 = arith.constant 0 : i32
    %dma_start3A_201 = arith.constant 0 : i32
    %dma_start3A_202 = arith.constant 0 : i32
    %dma_start3A_203 = tpu.memref_slice %arg7[%dma_start3A_200, %dma_start3A_201, %dma_start3A_202] : memref<2x128x128xf32, #tpu.memory_space<vmem>> -> memref<1x128x128xf32, #tpu.memory_space<vmem>>
    %dma_start3A_204 = tpu.memref_squeeze %dma_start3A_203 : memref<1x128x128xf32, #tpu.memory_space<vmem>> -> memref<128x128xf32, #tpu.memory_space<vmem>>
    %dma_start3A_205 = arith.constant 0 : i32
    %dma_start3A_206 = tpu.memref_slice %arg6[%dma_start3A, %dma_start3A_205] : memref<2x128xi32, #tpu.memory_space<vmem>> -> memref<1x128xi32, #tpu.memory_space<vmem>>
    %dma_start3A_207 = tpu.memref_squeeze %dma_start3A_206 : memref<1x128xi32, #tpu.memory_space<vmem>> -> memref<128xi32, #tpu.memory_space<vmem>>
    %dma_start3A_208 = arith.constant 0 : i32
    %dma_start3A_209 = arith.constant 0 : i32
    %dma_start3A_210 = tpu.memref_slice %arg3[%dma_start3A_208, %dma_start3A_209] : memref<8192x128xf32, #tpu.memory_space<hbm>> -> memref<8192x128xf32, #tpu.memory_space<hbm>>
    tpu.enqueue_indirect_dma source(%dma_start3A_210 : memref<8192x128xf32, #tpu.memory_space<hbm>>) target(%dma_start3A_204 : memref<128x128xf32, #tpu.memory_space<vmem>>) offsets(%dma_start3A_207 : memref<128xi32, #tpu.memory_space<vmem>>) semaphore(%arg11 : memref<!tpu.dma_semaphore, #tpu.memory_space<semaphore_mem>>)
    %dma_start3A_211 = arith.constant 1 : i32
    %dma_start3A_212 = arith.constant 1 : i32
    %dma_start3A_213 = arith.constant 0 : i32
    %dma_start3A_214 = arith.constant 0 : i32
    %dma_start3A_215 = tpu.memref_slice %arg7[%dma_start3A_212, %dma_start3A_213, %dma_start3A_214] : memref<2x128x128xf32, #tpu.memory_space<vmem>> -> memref<1x128x128xf32, #tpu.memory_space<vmem>>
    %dma_start3A_216 = tpu.memref_squeeze %dma_start3A_215 : memref<1x128x128xf32, #tpu.memory_space<vmem>> -> memref<128x128xf32, #tpu.memory_space<vmem>>
    %dma_start3A_217 = arith.constant 0 : i32
    %dma_start3A_218 = tpu.memref_slice %arg6[%dma_start3A_211, %dma_start3A_217] : memref<2x128xi32, #tpu.memory_space<vmem>> -> memref<1x128xi32, #tpu.memory_space<vmem>>
    %dma_start3A_219 = tpu.memref_squeeze %dma_start3A_218 : memref<1x128xi32, #tpu.memory_space<vmem>> -> memref<128xi32, #tpu.memory_space<vmem>>
    %dma_start3A_220 = arith.constant 0 : i32
    %dma_start3A_221 = arith.constant 0 : i32
    %dma_start3A_222 = tpu.memref_slice %arg3[%dma_start3A_220, %dma_start3A_221] : memref<8192x128xf32, #tpu.memory_space<hbm>> -> memref<8192x128xf32, #tpu.memory_space<hbm>>
    tpu.enqueue_indirect_dma source(%dma_start3A_222 : memref<8192x128xf32, #tpu.memory_space<hbm>>) target(%dma_start3A_216 : memref<128x128xf32, #tpu.memory_space<vmem>>) offsets(%dma_start3A_219 : memref<128xi32, #tpu.memory_space<vmem>>) semaphore(%arg11 : memref<!tpu.dma_semaphore, #tpu.memory_space<semaphore_mem>>)
    %dma_wait3A = arith.constant 0 : i32
    %dma_wait3A_223 = arith.constant 0 : i32
    %dma_wait3A_224 = arith.constant 0 : i32
    %dma_wait3A_225 = arith.constant 0 : i32
    %dma_wait3A_226 = tpu.memref_slice %arg7[%dma_wait3A_223, %dma_wait3A_224, %dma_wait3A_225] : memref<2x128x128xf32, #tpu.memory_space<vmem>> -> memref<1x128x128xf32, #tpu.memory_space<vmem>>
    %dma_wait3A_227 = tpu.memref_squeeze %dma_wait3A_226 : memref<1x128x128xf32, #tpu.memory_space<vmem>> -> memref<128x128xf32, #tpu.memory_space<vmem>>
    %dma_wait3A_228 = arith.constant 0 : i32
    %dma_wait3A_229 = tpu.memref_slice %arg6[%dma_wait3A, %dma_wait3A_228] : memref<2x128xi32, #tpu.memory_space<vmem>> -> memref<1x128xi32, #tpu.memory_space<vmem>>
    %dma_wait3A_230 = tpu.memref_squeeze %dma_wait3A_229 : memref<1x128xi32, #tpu.memory_space<vmem>> -> memref<128xi32, #tpu.memory_space<vmem>>
    %dma_wait3A_231 = arith.constant 0 : i32
    %dma_wait3A_232 = arith.constant 0 : i32
    %dma_wait3A_233 = tpu.memref_slice %arg3[%dma_wait3A_231, %dma_wait3A_232] : memref<8192x128xf32, #tpu.memory_space<hbm>> -> memref<8192x128xf32, #tpu.memory_space<hbm>>
    tpu.wait_indirect_dma semaphore(%arg11 : memref<!tpu.dma_semaphore, #tpu.memory_space<semaphore_mem>>) src(%dma_wait3A_233 : memref<8192x128xf32, #tpu.memory_space<hbm>>) dst(%dma_wait3A_227 : memref<128x128xf32, #tpu.memory_space<vmem>>)
    %dma_wait3A_234 = arith.constant 1 : i32
    %dma_wait3A_235 = arith.constant 1 : i32
    %dma_wait3A_236 = arith.constant 0 : i32
    %dma_wait3A_237 = arith.constant 0 : i32
    %dma_wait3A_238 = tpu.memref_slice %arg7[%dma_wait3A_235, %dma_wait3A_236, %dma_wait3A_237] : memref<2x128x128xf32, #tpu.memory_space<vmem>> -> memref<1x128x128xf32, #tpu.memory_space<vmem>>
    %dma_wait3A_239 = tpu.memref_squeeze %dma_wait3A_238 : memref<1x128x128xf32, #tpu.memory_space<vmem>> -> memref<128x128xf32, #tpu.memory_space<vmem>>
    %dma_wait3A_240 = arith.constant 0 : i32
    %dma_wait3A_241 = tpu.memref_slice %arg6[%dma_wait3A_234, %dma_wait3A_240] : memref<2x128xi32, #tpu.memory_space<vmem>> -> memref<1x128xi32, #tpu.memory_space<vmem>>
    %dma_wait3A_242 = tpu.memref_squeeze %dma_wait3A_241 : memref<1x128xi32, #tpu.memory_space<vmem>> -> memref<128xi32, #tpu.memory_space<vmem>>
    %dma_wait3A_243 = arith.constant 0 : i32
    %dma_wait3A_244 = arith.constant 0 : i32
    %dma_wait3A_245 = tpu.memref_slice %arg3[%dma_wait3A_243, %dma_wait3A_244] : memref<8192x128xf32, #tpu.memory_space<hbm>> -> memref<8192x128xf32, #tpu.memory_space<hbm>>
    tpu.wait_indirect_dma semaphore(%arg11 : memref<!tpu.dma_semaphore, #tpu.memory_space<semaphore_mem>>) src(%dma_wait3A_245 : memref<8192x128xf32, #tpu.memory_space<hbm>>) dst(%dma_wait3A_239 : memref<128x128xf32, #tpu.memory_space<vmem>>)
    %add3A_246 = arith.constant 0 : i32
    %add3A_247 = arith.addi %mul3A_2, %add3A_246 : i32
    %run_scoped3A_248 = arith.constant 0 : i32
    "tpu.region"() ({
      %run_scoped3A_389 = tpu.sem_alloc : memref<!tpu.dma_semaphore, #tpu.memory_space<semaphore_mem>>
      %dma_start3A_390 = arith.constant 0 : i32
      %dma_start3A_391 = arith.constant 0 : i32
      %dma_start3A_392 = tpu.memref_slice %arg7[%run_scoped3A_248, %dma_start3A_390, %dma_start3A_391] : memref<2x128x128xf32, #tpu.memory_space<vmem>> -> memref<1x128x128xf32, #tpu.memory_space<vmem>>
      %dma_start3A_393 = tpu.memref_squeeze %dma_start3A_392 : memref<1x128x128xf32, #tpu.memory_space<vmem>> -> memref<128x128xf32, #tpu.memory_space<vmem>>
      %dma_start3A_394 = arith.constant 0 : i32
      %dma_start3A_395 = tpu.memref_slice %arg4[%add3A_247, %dma_start3A_394] : memref<8192x128xf32, #tpu.memory_space<hbm>> -> memref<128x128xf32, #tpu.memory_space<hbm>>
      %dma_start3A_396 = arith.constant 0 : i32
      %dma_start3A_397 = tpu.memref_slice %arg4[%add3A_247, %dma_start3A_396] : memref<8192x128xf32, #tpu.memory_space<hbm>> -> memref<128x128xf32, #tpu.memory_space<hbm>>
      %dma_start3A_398 = arith.constant 0 : i32
      %dma_start3A_399 = arith.constant 0 : i32
      %dma_start3A_400 = tpu.memref_slice %arg7[%run_scoped3A_248, %dma_start3A_398, %dma_start3A_399] : memref<2x128x128xf32, #tpu.memory_space<vmem>> -> memref<1x128x128xf32, #tpu.memory_space<vmem>>
      %dma_start3A_401 = tpu.memref_squeeze %dma_start3A_400 : memref<1x128x128xf32, #tpu.memory_space<vmem>> -> memref<128x128xf32, #tpu.memory_space<vmem>>
      tpu.enqueue_dma source(%dma_start3A_401 : memref<128x128xf32, #tpu.memory_space<vmem>>) target(%dma_start3A_397 : memref<128x128xf32, #tpu.memory_space<hbm>>) target_semaphore(%run_scoped3A_389 : memref<!tpu.dma_semaphore, #tpu.memory_space<semaphore_mem>>)
      %dma_wait3A_402 = arith.constant 0 : i32
      %dma_wait3A_403 = arith.constant 0 : i32
      %dma_wait3A_404 = tpu.memref_slice %arg7[%run_scoped3A_248, %dma_wait3A_402, %dma_wait3A_403] : memref<2x128x128xf32, #tpu.memory_space<vmem>> -> memref<1x128x128xf32, #tpu.memory_space<vmem>>
      %dma_wait3A_405 = tpu.memref_squeeze %dma_wait3A_404 : memref<1x128x128xf32, #tpu.memory_space<vmem>> -> memref<128x128xf32, #tpu.memory_space<vmem>>
      %dma_wait3A_406 = arith.constant 0 : i32
      %dma_wait3A_407 = tpu.memref_slice %arg4[%add3A_247, %dma_wait3A_406] : memref<8192x128xf32, #tpu.memory_space<hbm>> -> memref<128x128xf32, #tpu.memory_space<hbm>>
      %dma_wait3A_408 = arith.constant 0 : i32
      %dma_wait3A_409 = tpu.memref_slice %arg4[%add3A_247, %dma_wait3A_408] : memref<8192x128xf32, #tpu.memory_space<hbm>> -> memref<128x128xf32, #tpu.memory_space<hbm>>
      %dma_wait3A_410 = arith.constant 0 : i32
      %dma_wait3A_411 = arith.constant 0 : i32
      %dma_wait3A_412 = tpu.memref_slice %arg7[%run_scoped3A_248, %dma_wait3A_410, %dma_wait3A_411] : memref<2x128x128xf32, #tpu.memory_space<vmem>> -> memref<1x128x128xf32, #tpu.memory_space<vmem>>
      %dma_wait3A_413 = tpu.memref_squeeze %dma_wait3A_412 : memref<1x128x128xf32, #tpu.memory_space<vmem>> -> memref<128x128xf32, #tpu.memory_space<vmem>>
      tpu.wait_dma2 semaphore(%run_scoped3A_389 : memref<!tpu.dma_semaphore, #tpu.memory_space<semaphore_mem>>) src(%dma_wait3A_413 : memref<128x128xf32, #tpu.memory_space<vmem>>) dst(%dma_wait3A_409 : memref<128x128xf32, #tpu.memory_space<hbm>>)
      tpu.yield
    }) : () -> ()
    %add3A_249 = arith.constant 128 : i32
    %add3A_250 = arith.addi %mul3A_2, %add3A_249 : i32
    %run_scoped3A_251 = arith.constant 1 : i32
    "tpu.region"() ({
      %run_scoped3A_389 = tpu.sem_alloc : memref<!tpu.dma_semaphore, #tpu.memory_space<semaphore_mem>>
      %dma_start3A_390 = arith.constant 0 : i32
      %dma_start3A_391 = arith.constant 0 : i32
      %dma_start3A_392 = tpu.memref_slice %arg7[%run_scoped3A_251, %dma_start3A_390, %dma_start3A_391] : memref<2x128x128xf32, #tpu.memory_space<vmem>> -> memref<1x128x128xf32, #tpu.memory_space<vmem>>
      %dma_start3A_393 = tpu.memref_squeeze %dma_start3A_392 : memref<1x128x128xf32, #tpu.memory_space<vmem>> -> memref<128x128xf32, #tpu.memory_space<vmem>>
      %dma_start3A_394 = arith.constant 0 : i32
      %dma_start3A_395 = tpu.memref_slice %arg4[%add3A_250, %dma_start3A_394] : memref<8192x128xf32, #tpu.memory_space<hbm>> -> memref<128x128xf32, #tpu.memory_space<hbm>>
      %dma_start3A_396 = arith.constant 0 : i32
      %dma_start3A_397 = tpu.memref_slice %arg4[%add3A_250, %dma_start3A_396] : memref<8192x128xf32, #tpu.memory_space<hbm>> -> memref<128x128xf32, #tpu.memory_space<hbm>>
      %dma_start3A_398 = arith.constant 0 : i32
      %dma_start3A_399 = arith.constant 0 : i32
      %dma_start3A_400 = tpu.memref_slice %arg7[%run_scoped3A_251, %dma_start3A_398, %dma_start3A_399] : memref<2x128x128xf32, #tpu.memory_space<vmem>> -> memref<1x128x128xf32, #tpu.memory_space<vmem>>
      %dma_start3A_401 = tpu.memref_squeeze %dma_start3A_400 : memref<1x128x128xf32, #tpu.memory_space<vmem>> -> memref<128x128xf32, #tpu.memory_space<vmem>>
      tpu.enqueue_dma source(%dma_start3A_401 : memref<128x128xf32, #tpu.memory_space<vmem>>) target(%dma_start3A_397 : memref<128x128xf32, #tpu.memory_space<hbm>>) target_semaphore(%run_scoped3A_389 : memref<!tpu.dma_semaphore, #tpu.memory_space<semaphore_mem>>)
      %dma_wait3A_402 = arith.constant 0 : i32
      %dma_wait3A_403 = arith.constant 0 : i32
      %dma_wait3A_404 = tpu.memref_slice %arg7[%run_scoped3A_251, %dma_wait3A_402, %dma_wait3A_403] : memref<2x128x128xf32, #tpu.memory_space<vmem>> -> memref<1x128x128xf32, #tpu.memory_space<vmem>>
      %dma_wait3A_405 = tpu.memref_squeeze %dma_wait3A_404 : memref<1x128x128xf32, #tpu.memory_space<vmem>> -> memref<128x128xf32, #tpu.memory_space<vmem>>
      %dma_wait3A_406 = arith.constant 0 : i32
      %dma_wait3A_407 = tpu.memref_slice %arg4[%add3A_250, %dma_wait3A_406] : memref<8192x128xf32, #tpu.memory_space<hbm>> -> memref<128x128xf32, #tpu.memory_space<hbm>>
      %dma_wait3A_408 = arith.constant 0 : i32
      %dma_wait3A_409 = tpu.memref_slice %arg4[%add3A_250, %dma_wait3A_408] : memref<8192x128xf32, #tpu.memory_space<hbm>> -> memref<128x128xf32, #tpu.memory_space<hbm>>
      %dma_wait3A_410 = arith.constant 0 : i32
      %dma_wait3A_411 = arith.constant 0 : i32
      %dma_wait3A_412 = tpu.memref_slice %arg7[%run_scoped3A_251, %dma_wait3A_410, %dma_wait3A_411] : memref<2x128x128xf32, #tpu.memory_space<vmem>> -> memref<1x128x128xf32, #tpu.memory_space<vmem>>
      %dma_wait3A_413 = tpu.memref_squeeze %dma_wait3A_412 : memref<1x128x128xf32, #tpu.memory_space<vmem>> -> memref<128x128xf32, #tpu.memory_space<vmem>>
      tpu.wait_dma2 semaphore(%run_scoped3A_389 : memref<!tpu.dma_semaphore, #tpu.memory_space<semaphore_mem>>) src(%dma_wait3A_413 : memref<128x128xf32, #tpu.memory_space<vmem>>) dst(%dma_wait3A_409 : memref<128x128xf32, #tpu.memory_space<hbm>>)
      tpu.yield
    }) : () -> ()
    %broadcast_in_dim3A_252 = arith.constant 1.000000e+00 : f32
    %broadcast_in_dim3A_253 = vector.broadcast %broadcast_in_dim3A_252 : f32 to vector<16xf32>
    %swap3A_254 = arith.constant 0 : i32
    %swap3A_255 = arith.index_cast %swap3A_254 : i32 to index
    %swap3A_256 = arith.constant 0 : index
    %swap3A_257 = tpu.vector_load %arg8[%swap3A_255, %swap3A_256] {strides = array<i32>} : memref<2x128xf32, #tpu.memory_space<vmem>>, vector<1x16xf32>,
    %swap3A_258 = vector.shape_cast %swap3A_257 : vector<1x16xf32> to vector<16xf32>
    %swap3A_259 = vector.shape_cast %broadcast_in_dim3A_253 : vector<16xf32> to vector<1x16xf32>
    tpu.vector_store %arg8[%swap3A_255, %swap3A_256], %swap3A_259 {strides = array<i32>} : memref<2x128xf32, #tpu.memory_space<vmem>>, vector<1x16xf32>,
    %broadcast_in_dim3A_260 = arith.constant 1.000000e+00 : f32
    %broadcast_in_dim3A_261 = vector.broadcast %broadcast_in_dim3A_260 : f32 to vector<16xf32>
    %swap3A_262 = arith.constant 0 : i32
    %swap3A_263 = arith.index_cast %swap3A_262 : i32 to index
    %swap3A_264 = arith.constant 16 : index
    %swap3A_265 = tpu.vector_load %arg8[%swap3A_263, %swap3A_264] {strides = array<i32>} : memref<2x128xf32, #tpu.memory_space<vmem>>, vector<1x16xf32>,
    %swap3A_266 = vector.shape_cast %swap3A_265 : vector<1x16xf32> to vector<16xf32>
    %swap3A_267 = vector.shape_cast %broadcast_in_dim3A_261 : vector<16xf32> to vector<1x16xf32>
    tpu.vector_store %arg8[%swap3A_263, %swap3A_264], %swap3A_267 {strides = array<i32>} : memref<2x128xf32, #tpu.memory_space<vmem>>, vector<1x16xf32>,
    %broadcast_in_dim3A_268 = arith.constant 1.000000e+00 : f32
    %broadcast_in_dim3A_269 = vector.broadcast %broadcast_in_dim3A_268 : f32 to vector<16xf32>
    %swap3A_270 = arith.constant 0 : i32
    %swap3A_271 = arith.index_cast %swap3A_270 : i32 to index
    %swap3A_272 = arith.constant 32 : index
    %swap3A_273 = tpu.vector_load %arg8[%swap3A_271, %swap3A_272] {strides = array<i32>} : memref<2x128xf32, #tpu.memory_space<vmem>>, vector<1x16xf32>,
    %swap3A_274 = vector.shape_cast %swap3A_273 : vector<1x16xf32> to vector<16xf32>
    %swap3A_275 = vector.shape_cast %broadcast_in_dim3A_269 : vector<16xf32> to vector<1x16xf32>
    tpu.vector_store %arg8[%swap3A_271, %swap3A_272], %swap3A_275 {strides = array<i32>} : memref<2x128xf32, #tpu.memory_space<vmem>>, vector<1x16xf32>,
    %broadcast_in_dim3A_276 = arith.constant 1.000000e+00 : f32
    %broadcast_in_dim3A_277 = vector.broadcast %broadcast_in_dim3A_276 : f32 to vector<16xf32>
    %swap3A_278 = arith.constant 0 : i32
    %swap3A_279 = arith.index_cast %swap3A_278 : i32 to index
    %swap3A_280 = arith.constant 48 : index
    %swap3A_281 = tpu.vector_load %arg8[%swap3A_279, %swap3A_280] {strides = array<i32>} : memref<2x128xf32, #tpu.memory_space<vmem>>, vector<1x16xf32>,
    %swap3A_282 = vector.shape_cast %swap3A_281 : vector<1x16xf32> to vector<16xf32>
    %swap3A_283 = vector.shape_cast %broadcast_in_dim3A_277 : vector<16xf32> to vector<1x16xf32>
    tpu.vector_store %arg8[%swap3A_279, %swap3A_280], %swap3A_283 {strides = array<i32>} : memref<2x128xf32, #tpu.memory_space<vmem>>, vector<1x16xf32>,
    %broadcast_in_dim3A_284 = arith.constant 1.000000e+00 : f32
    %broadcast_in_dim3A_285 = vector.broadcast %broadcast_in_dim3A_284 : f32 to vector<16xf32>
    %swap3A_286 = arith.constant 0 : i32
    %swap3A_287 = arith.index_cast %swap3A_286 : i32 to index
    %swap3A_288 = arith.constant 64 : index
    %swap3A_289 = tpu.vector_load %arg8[%swap3A_287, %swap3A_288] {strides = array<i32>} : memref<2x128xf32, #tpu.memory_space<vmem>>, vector<1x16xf32>,
    %swap3A_290 = vector.shape_cast %swap3A_289 : vector<1x16xf32> to vector<16xf32>
    %swap3A_291 = vector.shape_cast %broadcast_in_dim3A_285 : vector<16xf32> to vector<1x16xf32>
    tpu.vector_store %arg8[%swap3A_287, %swap3A_288], %swap3A_291 {strides = array<i32>} : memref<2x128xf32, #tpu.memory_space<vmem>>, vector<1x16xf32>,
    %broadcast_in_dim3A_292 = arith.constant 1.000000e+00 : f32
    %broadcast_in_dim3A_293 = vector.broadcast %broadcast_in_dim3A_292 : f32 to vector<16xf32>
    %swap3A_294 = arith.constant 0 : i32
    %swap3A_295 = arith.index_cast %swap3A_294 : i32 to index
    %swap3A_296 = arith.constant 80 : index
    %swap3A_297 = tpu.vector_load %arg8[%swap3A_295, %swap3A_296] {strides = array<i32>} : memref<2x128xf32, #tpu.memory_space<vmem>>, vector<1x16xf32>,
    %swap3A_298 = vector.shape_cast %swap3A_297 : vector<1x16xf32> to vector<16xf32>
    %swap3A_299 = vector.shape_cast %broadcast_in_dim3A_293 : vector<16xf32> to vector<1x16xf32>
    tpu.vector_store %arg8[%swap3A_295, %swap3A_296], %swap3A_299 {strides = array<i32>} : memref<2x128xf32, #tpu.memory_space<vmem>>, vector<1x16xf32>,
    %broadcast_in_dim3A_300 = arith.constant 1.000000e+00 : f32
    %broadcast_in_dim3A_301 = vector.broadcast %broadcast_in_dim3A_300 : f32 to vector<16xf32>
    %swap3A_302 = arith.constant 0 : i32
    %swap3A_303 = arith.index_cast %swap3A_302 : i32 to index
    %swap3A_304 = arith.constant 96 : index
    %swap3A_305 = tpu.vector_load %arg8[%swap3A_303, %swap3A_304] {strides = array<i32>} : memref<2x128xf32, #tpu.memory_space<vmem>>, vector<1x16xf32>,
    %swap3A_306 = vector.shape_cast %swap3A_305 : vector<1x16xf32> to vector<16xf32>
    %swap3A_307 = vector.shape_cast %broadcast_in_dim3A_301 : vector<16xf32> to vector<1x16xf32>
    tpu.vector_store %arg8[%swap3A_303, %swap3A_304], %swap3A_307 {strides = array<i32>} : memref<2x128xf32, #tpu.memory_space<vmem>>, vector<1x16xf32>,
    %broadcast_in_dim3A_308 = arith.constant 1.000000e+00 : f32
    %broadcast_in_dim3A_309 = vector.broadcast %broadcast_in_dim3A_308 : f32 to vector<16xf32>
    %swap3A_310 = arith.constant 0 : i32
    %swap3A_311 = arith.index_cast %swap3A_310 : i32 to index
    %swap3A_312 = arith.constant 112 : index
    %swap3A_313 = tpu.vector_load %arg8[%swap3A_311, %swap3A_312] {strides = array<i32>} : memref<2x128xf32, #tpu.memory_space<vmem>>, vector<1x16xf32>,
    %swap3A_314 = vector.shape_cast %swap3A_313 : vector<1x16xf32> to vector<16xf32>
    %swap3A_315 = vector.shape_cast %broadcast_in_dim3A_309 : vector<16xf32> to vector<1x16xf32>
    tpu.vector_store %arg8[%swap3A_311, %swap3A_312], %swap3A_315 {strides = array<i32>} : memref<2x128xf32, #tpu.memory_space<vmem>>, vector<1x16xf32>,
    %broadcast_in_dim3A_316 = arith.constant 1.000000e+00 : f32
    %broadcast_in_dim3A_317 = vector.broadcast %broadcast_in_dim3A_316 : f32 to vector<16xf32>
    %swap3A_318 = arith.constant 1 : i32
    %swap3A_319 = arith.index_cast %swap3A_318 : i32 to index
    %swap3A_320 = arith.constant 0 : index
    %swap3A_321 = tpu.vector_load %arg8[%swap3A_319, %swap3A_320] {strides = array<i32>} : memref<2x128xf32, #tpu.memory_space<vmem>>, vector<1x16xf32>,
    %swap3A_322 = vector.shape_cast %swap3A_321 : vector<1x16xf32> to vector<16xf32>
    %swap3A_323 = vector.shape_cast %broadcast_in_dim3A_317 : vector<16xf32> to vector<1x16xf32>
    tpu.vector_store %arg8[%swap3A_319, %swap3A_320], %swap3A_323 {strides = array<i32>} : memref<2x128xf32, #tpu.memory_space<vmem>>, vector<1x16xf32>,
    %broadcast_in_dim3A_324 = arith.constant 1.000000e+00 : f32
    %broadcast_in_dim3A_325 = vector.broadcast %broadcast_in_dim3A_324 : f32 to vector<16xf32>
    %swap3A_326 = arith.constant 1 : i32
    %swap3A_327 = arith.index_cast %swap3A_326 : i32 to index
    %swap3A_328 = arith.constant 16 : index
    %swap3A_329 = tpu.vector_load %arg8[%swap3A_327, %swap3A_328] {strides = array<i32>} : memref<2x128xf32, #tpu.memory_space<vmem>>, vector<1x16xf32>,
    %swap3A_330 = vector.shape_cast %swap3A_329 : vector<1x16xf32> to vector<16xf32>
    %swap3A_331 = vector.shape_cast %broadcast_in_dim3A_325 : vector<16xf32> to vector<1x16xf32>
    tpu.vector_store %arg8[%swap3A_327, %swap3A_328], %swap3A_331 {strides = array<i32>} : memref<2x128xf32, #tpu.memory_space<vmem>>, vector<1x16xf32>,
    %broadcast_in_dim3A_332 = arith.constant 1.000000e+00 : f32
    %broadcast_in_dim3A_333 = vector.broadcast %broadcast_in_dim3A_332 : f32 to vector<16xf32>
    %swap3A_334 = arith.constant 1 : i32
    %swap3A_335 = arith.index_cast %swap3A_334 : i32 to index
    %swap3A_336 = arith.constant 32 : index
    %swap3A_337 = tpu.vector_load %arg8[%swap3A_335, %swap3A_336] {strides = array<i32>} : memref<2x128xf32, #tpu.memory_space<vmem>>, vector<1x16xf32>,
    %swap3A_338 = vector.shape_cast %swap3A_337 : vector<1x16xf32> to vector<16xf32>
    %swap3A_339 = vector.shape_cast %broadcast_in_dim3A_333 : vector<16xf32> to vector<1x16xf32>
    tpu.vector_store %arg8[%swap3A_335, %swap3A_336], %swap3A_339 {strides = array<i32>} : memref<2x128xf32, #tpu.memory_space<vmem>>, vector<1x16xf32>,
    %broadcast_in_dim3A_340 = arith.constant 1.000000e+00 : f32
    %broadcast_in_dim3A_341 = vector.broadcast %broadcast_in_dim3A_340 : f32 to vector<16xf32>
    %swap3A_342 = arith.constant 1 : i32
    %swap3A_343 = arith.index_cast %swap3A_342 : i32 to index
    %swap3A_344 = arith.constant 48 : index
    %swap3A_345 = tpu.vector_load %arg8[%swap3A_343, %swap3A_344] {strides = array<i32>} : memref<2x128xf32, #tpu.memory_space<vmem>>, vector<1x16xf32>,
    %swap3A_346 = vector.shape_cast %swap3A_345 : vector<1x16xf32> to vector<16xf32>
    %swap3A_347 = vector.shape_cast %broadcast_in_dim3A_341 : vector<16xf32> to vector<1x16xf32>
    tpu.vector_store %arg8[%swap3A_343, %swap3A_344], %swap3A_347 {strides = array<i32>} : memref<2x128xf32, #tpu.memory_space<vmem>>, vector<1x16xf32>,
    %broadcast_in_dim3A_348 = arith.constant 1.000000e+00 : f32
    %broadcast_in_dim3A_349 = vector.broadcast %broadcast_in_dim3A_348 : f32 to vector<16xf32>
    %swap3A_350 = arith.constant 1 : i32
    %swap3A_351 = arith.index_cast %swap3A_350 : i32 to index
    %swap3A_352 = arith.constant 64 : index
    %swap3A_353 = tpu.vector_load %arg8[%swap3A_351, %swap3A_352] {strides = array<i32>} : memref<2x128xf32, #tpu.memory_space<vmem>>, vector<1x16xf32>,
    %swap3A_354 = vector.shape_cast %swap3A_353 : vector<1x16xf32> to vector<16xf32>
    %swap3A_355 = vector.shape_cast %broadcast_in_dim3A_349 : vector<16xf32> to vector<1x16xf32>
    tpu.vector_store %arg8[%swap3A_351, %swap3A_352], %swap3A_355 {strides = array<i32>} : memref<2x128xf32, #tpu.memory_space<vmem>>, vector<1x16xf32>,
    %broadcast_in_dim3A_356 = arith.constant 1.000000e+00 : f32
    %broadcast_in_dim3A_357 = vector.broadcast %broadcast_in_dim3A_356 : f32 to vector<16xf32>
    %swap3A_358 = arith.constant 1 : i32
    %swap3A_359 = arith.index_cast %swap3A_358 : i32 to index
    %swap3A_360 = arith.constant 80 : index
    %swap3A_361 = tpu.vector_load %arg8[%swap3A_359, %swap3A_360] {strides = array<i32>} : memref<2x128xf32, #tpu.memory_space<vmem>>, vector<1x16xf32>,
    %swap3A_362 = vector.shape_cast %swap3A_361 : vector<1x16xf32> to vector<16xf32>
    %swap3A_363 = vector.shape_cast %broadcast_in_dim3A_357 : vector<16xf32> to vector<1x16xf32>
    tpu.vector_store %arg8[%swap3A_359, %swap3A_360], %swap3A_363 {strides = array<i32>} : memref<2x128xf32, #tpu.memory_space<vmem>>, vector<1x16xf32>,
    %broadcast_in_dim3A_364 = arith.constant 1.000000e+00 : f32
    %broadcast_in_dim3A_365 = vector.broadcast %broadcast_in_dim3A_364 : f32 to vector<16xf32>
    %swap3A_366 = arith.constant 1 : i32
    %swap3A_367 = arith.index_cast %swap3A_366 : i32 to index
    %swap3A_368 = arith.constant 96 : index
    %swap3A_369 = tpu.vector_load %arg8[%swap3A_367, %swap3A_368] {strides = array<i32>} : memref<2x128xf32, #tpu.memory_space<vmem>>, vector<1x16xf32>,
    %swap3A_370 = vector.shape_cast %swap3A_369 : vector<1x16xf32> to vector<16xf32>
    %swap3A_371 = vector.shape_cast %broadcast_in_dim3A_365 : vector<16xf32> to vector<1x16xf32>
    tpu.vector_store %arg8[%swap3A_367, %swap3A_368], %swap3A_371 {strides = array<i32>} : memref<2x128xf32, #tpu.memory_space<vmem>>, vector<1x16xf32>,
    %broadcast_in_dim3A_372 = arith.constant 1.000000e+00 : f32
    %broadcast_in_dim3A_373 = vector.broadcast %broadcast_in_dim3A_372 : f32 to vector<16xf32>
    %swap3A_374 = arith.constant 1 : i32
    %swap3A_375 = arith.index_cast %swap3A_374 : i32 to index
    %swap3A_376 = arith.constant 112 : index
    %swap3A_377 = tpu.vector_load %arg8[%swap3A_375, %swap3A_376] {strides = array<i32>} : memref<2x128xf32, #tpu.memory_space<vmem>>, vector<1x16xf32>,
    %swap3A_378 = vector.shape_cast %swap3A_377 : vector<1x16xf32> to vector<16xf32>
    %swap3A_379 = vector.shape_cast %broadcast_in_dim3A_373 : vector<16xf32> to vector<1x16xf32>
    tpu.vector_store %arg8[%swap3A_375, %swap3A_376], %swap3A_379 {strides = array<i32>} : memref<2x128xf32, #tpu.memory_space<vmem>>, vector<1x16xf32>,
    %barrier3A = arith.constant 0 : index
    tpu.barrier barrier_id(%barrier3A)
    %run_scoped3A_380 = arith.constant 0 : i32
    %run_scoped3A_381 = arith.constant 0 : i32
    "tpu.region"() ({
      %run_scoped3A_389 = tpu.sem_alloc : memref<!tpu.dma_semaphore, #tpu.memory_space<semaphore_mem>>
      %dma_start3A_390 = arith.constant 0 : i32
      %dma_start3A_391 = tpu.memref_slice %arg8[%run_scoped3A_380, %dma_start3A_390] : memref<2x128xf32, #tpu.memory_space<vmem>> -> memref<1x128xf32, #tpu.memory_space<vmem>>
      %dma_start3A_392 = tpu.memref_squeeze %dma_start3A_391 : memref<1x128xf32, #tpu.memory_space<vmem>> -> memref<128xf32, #tpu.memory_space<vmem>>
      %dma_start3A_393 = arith.constant 0 : i32
      %dma_start3A_394 = tpu.memref_slice %arg6[%run_scoped3A_381, %dma_start3A_393] : memref<2x128xi32, #tpu.memory_space<vmem>> -> memref<1x128xi32, #tpu.memory_space<vmem>>
      %dma_start3A_395 = tpu.memref_squeeze %dma_start3A_394 : memref<1x128xi32, #tpu.memory_space<vmem>> -> memref<128xi32, #tpu.memory_space<vmem>>
      %dma_start3A_396 = arith.constant 0 : i32
      %dma_start3A_397 = tpu.memref_slice %arg10[%dma_start3A_396] : memref<8192xf32, #tpu.memory_space<vmem_shared>> -> memref<8192xf32, #tpu.memory_space<vmem_shared>>
      tpu.enqueue_indirect_dma source(%dma_start3A_392 : memref<128xf32, #tpu.memory_space<vmem>>) target(%dma_start3A_397 : memref<8192xf32, #tpu.memory_space<vmem_shared>>) offsets(%dma_start3A_395 : memref<128xi32, #tpu.memory_space<vmem>>) semaphore(%run_scoped3A_389 : memref<!tpu.dma_semaphore, #tpu.memory_space<semaphore_mem>>) {add = true}
      %dma_wait3A_398 = arith.constant 0 : i32
      %dma_wait3A_399 = tpu.memref_slice %arg8[%run_scoped3A_380, %dma_wait3A_398] : memref<2x128xf32, #tpu.memory_space<vmem>> -> memref<1x128xf32, #tpu.memory_space<vmem>>
      %dma_wait3A_400 = tpu.memref_squeeze %dma_wait3A_399 : memref<1x128xf32, #tpu.memory_space<vmem>> -> memref<128xf32, #tpu.memory_space<vmem>>
      %dma_wait3A_401 = arith.constant 0 : i32
      %dma_wait3A_402 = tpu.memref_slice %arg6[%run_scoped3A_381, %dma_wait3A_401] : memref<2x128xi32, #tpu.memory_space<vmem>> -> memref<1x128xi32, #tpu.memory_space<vmem>>
      %dma_wait3A_403 = tpu.memref_squeeze %dma_wait3A_402 : memref<1x128xi32, #tpu.memory_space<vmem>> -> memref<128xi32, #tpu.memory_space<vmem>>
      %dma_wait3A_404 = arith.constant 0 : i32
      %dma_wait3A_405 = tpu.memref_slice %arg10[%dma_wait3A_404] : memref<8192xf32, #tpu.memory_space<vmem_shared>> -> memref<8192xf32, #tpu.memory_space<vmem_shared>>
      tpu.wait_indirect_dma semaphore(%run_scoped3A_389 : memref<!tpu.dma_semaphore, #tpu.memory_space<semaphore_mem>>) src(%dma_wait3A_400 : memref<128xf32, #tpu.memory_space<vmem>>) dst(%dma_wait3A_405 : memref<8192xf32, #tpu.memory_space<vmem_shared>>)
      tpu.yield
    }) : () -> ()
    %run_scoped3A_382 = arith.constant 1 : i32
    %run_scoped3A_383 = arith.constant 1 : i32
    "tpu.region"() ({
      %run_scoped3A_389 = tpu.sem_alloc : memref<!tpu.dma_semaphore, #tpu.memory_space<semaphore_mem>>
      %dma_start3A_390 = arith.constant 0 : i32
      %dma_start3A_391 = tpu.memref_slice %arg8[%run_scoped3A_382, %dma_start3A_390] : memref<2x128xf32, #tpu.memory_space<vmem>> -> memref<1x128xf32, #tpu.memory_space<vmem>>
      %dma_start3A_392 = tpu.memref_squeeze %dma_start3A_391 : memref<1x128xf32, #tpu.memory_space<vmem>> -> memref<128xf32, #tpu.memory_space<vmem>>
      %dma_start3A_393 = arith.constant 0 : i32
      %dma_start3A_394 = tpu.memref_slice %arg6[%run_scoped3A_383, %dma_start3A_393] : memref<2x128xi32, #tpu.memory_space<vmem>> -> memref<1x128xi32, #tpu.memory_space<vmem>>
      %dma_start3A_395 = tpu.memref_squeeze %dma_start3A_394 : memref<1x128xi32, #tpu.memory_space<vmem>> -> memref<128xi32, #tpu.memory_space<vmem>>
      %dma_start3A_396 = arith.constant 0 : i32
      %dma_start3A_397 = tpu.memref_slice %arg10[%dma_start3A_396] : memref<8192xf32, #tpu.memory_space<vmem_shared>> -> memref<8192xf32, #tpu.memory_space<vmem_shared>>
      tpu.enqueue_indirect_dma source(%dma_start3A_392 : memref<128xf32, #tpu.memory_space<vmem>>) target(%dma_start3A_397 : memref<8192xf32, #tpu.memory_space<vmem_shared>>) offsets(%dma_start3A_395 : memref<128xi32, #tpu.memory_space<vmem>>) semaphore(%run_scoped3A_389 : memref<!tpu.dma_semaphore, #tpu.memory_space<semaphore_mem>>) {add = true}
      %dma_wait3A_398 = arith.constant 0 : i32
      %dma_wait3A_399 = tpu.memref_slice %arg8[%run_scoped3A_382, %dma_wait3A_398] : memref<2x128xf32, #tpu.memory_space<vmem>> -> memref<1x128xf32, #tpu.memory_space<vmem>>
      %dma_wait3A_400 = tpu.memref_squeeze %dma_wait3A_399 : memref<1x128xf32, #tpu.memory_space<vmem>> -> memref<128xf32, #tpu.memory_space<vmem>>
      %dma_wait3A_401 = arith.constant 0 : i32
      %dma_wait3A_402 = tpu.memref_slice %arg6[%run_scoped3A_383, %dma_wait3A_401] : memref<2x128xi32, #tpu.memory_space<vmem>> -> memref<1x128xi32, #tpu.memory_space<vmem>>
      %dma_wait3A_403 = tpu.memref_squeeze %dma_wait3A_402 : memref<1x128xi32, #tpu.memory_space<vmem>> -> memref<128xi32, #tpu.memory_space<vmem>>
      %dma_wait3A_404 = arith.constant 0 : i32
      %dma_wait3A_405 = tpu.memref_slice %arg10[%dma_wait3A_404] : memref<8192xf32, #tpu.memory_space<vmem_shared>> -> memref<8192xf32, #tpu.memory_space<vmem_shared>>
      tpu.wait_indirect_dma semaphore(%run_scoped3A_389 : memref<!tpu.dma_semaphore, #tpu.memory_space<semaphore_mem>>) src(%dma_wait3A_400 : memref<128xf32, #tpu.memory_space<vmem>>) dst(%dma_wait3A_405 : memref<8192xf32, #tpu.memory_space<vmem_shared>>)
      tpu.yield
    }) : () -> ()
    %barrier3A_384 = arith.constant 0 : index
    tpu.barrier barrier_id(%barrier3A_384)
    %mul3A_385 = arith.constant 512 : i32
    %mul3A_386 = arith.muli %arg1, %mul3A_385 : i32
    %mul3A_387 = arith.constant 512 : i32
    %mul3A_388 = arith.muli %arg1, %mul3A_387 : i32
    "tpu.region"() ({
      %run_scoped3A_389 = tpu.sem_alloc : memref<!tpu.dma_semaphore, #tpu.memory_space<semaphore_mem>>
      %dma_start3A_390 = tpu.memref_slice %arg5[%arg0, %mul3A_388] : memref<2x8192xf32, #tpu.memory_space<hbm>> -> memref<1x512xf32, #tpu.memory_space<hbm>>
      %dma_start3A_391 = tpu.memref_squeeze %dma_start3A_390 : memref<1x512xf32, #tpu.memory_space<hbm>> -> memref<512xf32, #tpu.memory_space<hbm>>
      %dma_start3A_392 = tpu.memref_slice %arg10[%mul3A_386] : memref<8192xf32, #tpu.memory_space<vmem_shared>> -> memref<512xf32, #tpu.memory_space<vmem_shared>>
      tpu.enqueue_dma source(%dma_start3A_392 : memref<512xf32, #tpu.memory_space<vmem_shared>>) target(%dma_start3A_391 : memref<512xf32, #tpu.memory_space<hbm>>) target_semaphore(%run_scoped3A_389 : memref<!tpu.dma_semaphore, #tpu.memory_space<semaphore_mem>>)
      %dma_wait3A_393 = tpu.memref_slice %arg5[%arg0, %mul3A_388] : memref<2x8192xf32, #tpu.memory_space<hbm>> -> memref<1x512xf32, #tpu.memory_space<hbm>>
      %dma_wait3A_394 = tpu.memref_squeeze %dma_wait3A_393 : memref<1x512xf32, #tpu.memory_space<hbm>> -> memref<512xf32, #tpu.memory_space<hbm>>
      %dma_wait3A_395 = tpu.memref_slice %arg10[%mul3A_386] : memref<8192xf32, #tpu.memory_space<vmem_shared>> -> memref<512xf32, #tpu.memory_space<vmem_shared>>
      tpu.wait_dma2 semaphore(%run_scoped3A_389 : memref<!tpu.dma_semaphore, #tpu.memory_space<semaphore_mem>>) src(%dma_wait3A_395 : memref<512xf32, #tpu.memory_space<vmem_shared>>) dst(%dma_wait3A_394 : memref<512xf32, #tpu.memory_space<hbm>>)
      tpu.yield
    }) : () -> ()
    return
  }
}

module attributes {stable_mosaic.version = 14 : i64} {
  func.func @_final_body(%arg0: i32, %arg1: memref<1x64x1024xf32, #tpu.memory_space<vmem>>, %arg2: memref<1x1024x128xf32, #tpu.memory_space<vmem>>, %arg3: memref<1x1024x64xf32, #tpu.memory_space<vmem>>, %arg4: memref<2x8192xf32, #tpu.memory_space<vmem>>, %arg5: memref<1x64x1024xf32, #tpu.memory_space<vmem>>, %arg6: memref<1x1xf32, #tpu.memory_space<smem>>, %arg7: memref<1x1xf32, #tpu.memory_space<smem>>, %arg8: memref<1xf32, #tpu.memory_space<smem>>) attributes {dimension_semantics = [#tpu.dimension_semantics<arbitrary>], iteration_bounds = array<i64: 9>, scalar_prefetch = 0 : i64, scratch_operands = 1 : i64, tpu.core_type = #tpu.core_type<tc>, window_params = [{transform_indices = @transform_0, window_bounds = array<i64: 1, 64, 1024>}, {transform_indices = @transform_1, window_bounds = array<i64: 1, 1024, 128>}, {transform_indices = @transform_2, window_bounds = array<i64: 1, 1024, 64>}, {pipeline_mode = #tpu.pipeline_mode<synchronous>, transform_indices = @transform_3, window_bounds = array<i64: 2, 8192>}, {transform_indices = @transform_4, window_bounds = array<i64: 1, 64, 1024>}, {transform_indices = @transform_5, window_bounds = array<i64: 1, 1>}, {transform_indices = @transform_6, window_bounds = array<i64: 1, 1>}]} {
    %lt3A = arith.constant 8 : i32
    %lt3A_0 = arith.cmpi slt, %arg0, %lt3A : i32
    %convert_element_type3A = arith.extui %lt3A_0 : i1 to i32
    %cond3A = arith.constant 0 : i32
    %cond3A_1 = arith.cmpi ne, %convert_element_type3A, %cond3A : i32
    scf.if %cond3A_1 {
      %get3A = arith.constant 0 : index
      %get3A_6 = arith.constant 0 : index
      %get3A_7 = arith.constant 0 : index
      %get3A_8 = vector.load %arg1[%get3A, %get3A_6, %get3A_7] : memref<1x64x1024xf32, #tpu.memory_space<vmem>>, vector<1x64x1024xf32>
      %get3A_9 = vector.shape_cast %get3A_8 : vector<1x64x1024xf32> to vector<64x1024xf32>
      %get3A_10 = arith.constant 0 : index
      %get3A_11 = arith.constant 0 : index
      %get3A_12 = arith.constant 0 : index
      %get3A_13 = vector.load %arg2[%get3A_10, %get3A_11, %get3A_12] : memref<1x1024x128xf32, #tpu.memory_space<vmem>>, vector<1x1024x128xf32>
      %get3A_14 = vector.shape_cast %get3A_13 : vector<1x1024x128xf32> to vector<1024x128xf32>
      %transpose3A = tpu.transpose %get3A_14, [1, 0] : vector<1024x128xf32> -> vector<128x1024xf32>
      %slice3A = vector.extract_strided_slice %transpose3A {offsets = [0, 0], sizes = [64, 1024], strides = [1, 1]} : vector<128x1024xf32> to vector<64x1024xf32>
      %sub3A = arith.subf %slice3A, %get3A_9 : vector<64x1024xf32>
      %add3A = arith.addf %get3A_9, %sub3A : vector<64x1024xf32>
      %swap3A = arith.constant 0 : index
      %swap3A_15 = arith.constant 0 : index
      %swap3A_16 = arith.constant 0 : index
      %swap3A_17 = vector.load %arg5[%swap3A, %swap3A_15, %swap3A_16] : memref<1x64x1024xf32, #tpu.memory_space<vmem>>, vector<1x64x1024xf32>
      %swap3A_18 = vector.shape_cast %swap3A_17 : vector<1x64x1024xf32> to vector<64x1024xf32>
      %swap3A_19 = vector.shape_cast %add3A : vector<64x1024xf32> to vector<1x64x1024xf32>
      tpu.vector_store %arg5[%swap3A, %swap3A_15, %swap3A_16], %swap3A_19 {strides = array<i32>} : memref<1x64x1024xf32, #tpu.memory_space<vmem>>, vector<1x64x1024xf32>,
      %get3A_20 = arith.constant 0 : index
      %get3A_21 = arith.constant 0 : index
      %get3A_22 = arith.constant 0 : index
      %get3A_23 = vector.load %arg3[%get3A_20, %get3A_21, %get3A_22] : memref<1x1024x64xf32, #tpu.memory_space<vmem>>, vector<1x1024x64xf32>
      %get3A_24 = vector.shape_cast %get3A_23 : vector<1x1024x64xf32> to vector<1024x64xf32>
      %transpose3A_25 = tpu.transpose %get3A_24, [1, 0] : vector<1024x64xf32> -> vector<64x1024xf32>
      %sub3A_26 = arith.subf %transpose3A_25, %get3A_9 : vector<64x1024xf32>
      %mul3A = arith.mulf %sub3A_26, %sub3A_26 : vector<64x1024xf32>
      %reduce_sum3A = vector.shape_cast %mul3A : vector<64x1024xf32> to vector<1x64x1024xf32>
      %reduce_sum3A_27 = arith.constant dense<0.000000e+00> : vector<1xf32>
      %reduce_sum3A_28 = vector.multi_reduction <add>, %reduce_sum3A, %reduce_sum3A_27 [1, 2] : vector<1x64x1024xf32> to vector<1xf32>
      %reduce_sum3A_29 = vector.shape_cast %reduce_sum3A_28 : vector<1xf32> to vector<1x1x1xf32>
      %reduce_sum3A_30 = vector.extract %reduce_sum3A_29[0, 0, 0] : f32 from vector<1x1x1xf32>
      %eq3A_31 = arith.constant 0 : i32
      %eq3A_32 = arith.cmpi eq, %arg0, %eq3A_31 : i32
      %convert_element_type3A_33 = arith.extui %eq3A_32 : i1 to i32
      %cond3A_34 = arith.constant 0 : i32
      %cond3A_35 = arith.cmpi ne, %convert_element_type3A_33, %cond3A_34 : i32
      scf.if %cond3A_35 {
        %swap3A_40 = arith.constant 0 : index
        %swap3A_41 = memref.load %arg8[%swap3A_40] : memref<1xf32, #tpu.memory_space<smem>>
        memref.store %reduce_sum3A_30, %arg8[%swap3A_40] : memref<1xf32, #tpu.memory_space<smem>>
      } else {
      }
      %gt3A = arith.constant 0 : i32
      %gt3A_36 = arith.cmpi sgt, %arg0, %gt3A : i32
      %convert_element_type3A_37 = arith.extui %gt3A_36 : i1 to i32
      %cond3A_38 = arith.constant 0 : i32
      %cond3A_39 = arith.cmpi ne, %convert_element_type3A_37, %cond3A_38 : i32
      scf.if %cond3A_39 {
        %get3A_40 = arith.constant 0 : index
        %get3A_41 = memref.load %arg8[%get3A_40] : memref<1xf32, #tpu.memory_space<smem>>
        %add3A_42 = arith.addf %get3A_41, %reduce_sum3A_30 : f32
        %swap3A_43 = arith.constant 0 : index
        %swap3A_44 = memref.load %arg8[%swap3A_43] : memref<1xf32, #tpu.memory_space<smem>>
        memref.store %add3A_42, %arg8[%swap3A_43] : memref<1xf32, #tpu.memory_space<smem>>
      } else {
      }
    } else {
    }
    %eq3A = arith.constant 8 : i32
    %eq3A_2 = arith.cmpi eq, %arg0, %eq3A : i32
    %convert_element_type3A_3 = arith.extui %eq3A_2 : i1 to i32
    %cond3A_4 = arith.constant 0 : i32
    %cond3A_5 = arith.cmpi ne, %convert_element_type3A_3, %cond3A_4 : i32
    scf.if %cond3A_5 {
      %get3A = arith.constant 0 : index
      %get3A_6 = memref.load %arg8[%get3A] : memref<1xf32, #tpu.memory_space<smem>>
      %mul3A = arith.constant 1.250000e+00 : f32
      %mul3A_7 = arith.mulf %mul3A, %get3A_6 : f32
      %div3A = arith.constant 5.242880e+05 : f32
      %div3A_8 = arith.divf %mul3A_7, %div3A : f32
      %swap3A = arith.constant 0 : index
      %swap3A_9 = arith.constant 0 : index
      %swap3A_10 = memref.load %arg6[%swap3A, %swap3A_9] : memref<1x1xf32, #tpu.memory_space<smem>>
      memref.store %div3A_8, %arg6[%swap3A, %swap3A_9] : memref<1x1xf32, #tpu.memory_space<smem>>
      %get3A_11 = arith.constant 0 : index
      %get3A_12 = arith.constant 0 : index
      %get3A_13 = vector.load %arg4[%get3A_11, %get3A_12] : memref<2x8192xf32, #tpu.memory_space<vmem>>, vector<1x8192xf32>
      %get3A_14 = arith.constant 1 : index
      %get3A_15 = arith.constant 0 : index
      %get3A_16 = vector.load %arg4[%get3A_14, %get3A_15] : memref<2x8192xf32, #tpu.memory_space<vmem>>, vector<1x8192xf32>
      %add3A = arith.addf %get3A_13, %get3A_16 : vector<1x8192xf32>
      %reduce_sum3A = vector.shape_cast %add3A : vector<1x8192xf32> to vector<1x1x8192xf32>
      %reduce_sum3A_17 = arith.constant dense<0.000000e+00> : vector<1xf32>
      %reduce_sum3A_18 = vector.multi_reduction <add>, %reduce_sum3A, %reduce_sum3A_17 [1, 2] : vector<1x1x8192xf32> to vector<1xf32>
      %reduce_sum3A_19 = vector.shape_cast %reduce_sum3A_18 : vector<1xf32> to vector<1x1x1xf32>
      %reduce_sum3A_20 = vector.extract %reduce_sum3A_19[0, 0, 0] : f32 from vector<1x1x1xf32>
      %max3A = arith.constant 1.000000e+00 : f32
      %max3A_21 = arith.maximumf %reduce_sum3A_20, %max3A : f32
      %div3A_22 = vector.broadcast %max3A_21 : f32 to vector<1x8192xf32>
      %div3A_23 = arith.divf %add3A, %div3A_22 : vector<1x8192xf32>
      %add3A_24 = arith.constant 1.000000e-10 : f32
      %add3A_25 = vector.broadcast %add3A_24 : f32 to vector<1x8192xf32>
      %add3A_26 = arith.addf %div3A_23, %add3A_25 : vector<1x8192xf32>
      %log3A = math.log %add3A_26 : vector<1x8192xf32>
      %mul3A_27 = arith.mulf %div3A_23, %log3A : vector<1x8192xf32>
      %reduce_sum3A_28 = vector.shape_cast %mul3A_27 : vector<1x8192xf32> to vector<1x1x8192xf32>
      %reduce_sum3A_29 = arith.constant dense<0.000000e+00> : vector<1xf32>
      %reduce_sum3A_30 = vector.multi_reduction <add>, %reduce_sum3A_28, %reduce_sum3A_29 [1, 2] : vector<1x1x8192xf32> to vector<1xf32>
      %reduce_sum3A_31 = vector.shape_cast %reduce_sum3A_30 : vector<1xf32> to vector<1x1x1xf32>
      %reduce_sum3A_32 = vector.extract %reduce_sum3A_31[0, 0, 0] : f32 from vector<1x1x1xf32>
      %neg3A = arith.constant 0.000000e+00 : f32
      %neg3A_33 = arith.subf %neg3A, %reduce_sum3A_32 : f32
      %exp3A = math.exp %neg3A_33 : f32
      %swap3A_34 = arith.constant 0 : index
      %swap3A_35 = arith.constant 0 : index
      %swap3A_36 = memref.load %arg7[%swap3A_34, %swap3A_35] : memref<1x1xf32, #tpu.memory_space<smem>>
      memref.store %exp3A, %arg7[%swap3A_34, %swap3A_35] : memref<1x1xf32, #tpu.memory_space<smem>>
    } else {
    }
    return
  }
  func.func @transform_0(%arg0: i32) -> (i32, i32, i32) {
    %min3A = arith.constant 7 : i32
    %min3A_0 = arith.minsi %arg0, %min3A : i32
    %c0_i32 = arith.constant 0 : i32
    %c0_i32_1 = arith.constant 0 : i32
    %c0_i32_2 = arith.constant 0 : i32
    return %min3A_0, %c0_i32, %c0_i32_1 : i32, i32, i32
  }
  func.func @transform_1(%arg0: i32) -> (i32, i32, i32) {
    %min3A = arith.constant 7 : i32
    %min3A_0 = arith.minsi %arg0, %min3A : i32
    %c0_i32 = arith.constant 0 : i32
    %c0_i32_1 = arith.constant 0 : i32
    %c0_i32_2 = arith.constant 0 : i32
    return %min3A_0, %c0_i32, %c0_i32_1 : i32, i32, i32
  }
  func.func @transform_2(%arg0: i32) -> (i32, i32, i32) {
    %min3A = arith.constant 7 : i32
    %min3A_0 = arith.minsi %arg0, %min3A : i32
    %c0_i32 = arith.constant 0 : i32
    %c0_i32_1 = arith.constant 0 : i32
    %c0_i32_2 = arith.constant 0 : i32
    return %min3A_0, %c0_i32, %c0_i32_1 : i32, i32, i32
  }
  func.func @transform_3(%arg0: i32) -> (i32, i32) {
    %c0_i32 = arith.constant 0 : i32
    %c0_i32_0 = arith.constant 0 : i32
    %c0_i32_1 = arith.constant 0 : i32
    return %c0_i32, %c0_i32_0 : i32, i32
  }
  func.func @transform_4(%arg0: i32) -> (i32, i32, i32) {
    %min3A = arith.constant 7 : i32
    %min3A_0 = arith.minsi %arg0, %min3A : i32
    %c0_i32 = arith.constant 0 : i32
    %c0_i32_1 = arith.constant 0 : i32
    %c0_i32_2 = arith.constant 0 : i32
    return %min3A_0, %c0_i32, %c0_i32_1 : i32, i32, i32
  }
  func.func @transform_5(%arg0: i32) -> (i32, i32) {
    %c0_i32 = arith.constant 0 : i32
    %c0_i32_0 = arith.constant 0 : i32
    %c0_i32_1 = arith.constant 0 : i32
    return %c0_i32, %c0_i32_0 : i32, i32
  }
  func.func @transform_6(%arg0: i32) -> (i32, i32) {
    %c0_i32 = arith.constant 0 : i32
    %c0_i32_0 = arith.constant 0 : i32
    %c0_i32_1 = arith.constant 0 : i32
    return %c0_i32, %c0_i32_0 : i32, i32
  }
}

</mosaic_0001>

<sc_bundles>
// kernel: gather_offload_async_start
scs
__scs_entry_jumppad:
0x0: {  	(pc) =	sbr.rel $0x88, $3  }
0x1: {  	(tag) =	ssettag $0x0;
	lr =	simm.s32 $0x1  }
0x2: {  	[smem:$0x3F9F] =	sst lr;
	_ =	strace $0xD0000000  }
0x3: {  	_ = 	snop  }
0x4: {  	_ = 	snop  }
0x5: {  	_ = 	snop  }
0x6: {  	_ = 	snop  }
0x7: {  	_ = 	snop  }
__scs_overlays_trampoline_lowered:
0x8: {  	[smem:$0x3FAE] =	sst s0  }
0x9: {  	[smem:$0x3FAF] =	sst s1  }
0xa: {  	[smem:$0x3FB0] =	sst s2  }
0xb: {  	[smem:$0x3FB1] =	sst s3  }
0xc: {  	[smem:$0x3FB2] =	sst s4  }
0xd: {  	[smem:$0x3FB3] =	sst s5  }
0xe: {  	[smem:$0x3FB4] =	sst s6  }
0xf: {  	[smem:$0x3FB5] =	sst s7  }
0x10: {  	[smem:$0x3FB6] =	sst s8  }
0x11: {  	[smem:$0x3FB7] =	sst s9;
	s0 =	simm.s32 @!p0 $0x0  }
0x12: {  	s1 =	sld [smem:$0x3F9D];
	s0 =	simm.s32 @p0 $0x1  }
0x13: {  	[smem:$0x3FB8] =	sst s0;
	s0 =	simm.s32 @!p1 $0x0  }
0x14: {  	s2 =	sld [smem:$0x3F9C];
	s0 =	simm.s32 @p1 $0x1  }
0x15: {  	[smem:$0x3FB9] =	sst s0;
	s0 =	simm.s32 @!p2 $0x0  }
0x16: {  	s3 =	sld [smem:$0x3FDB];
	s0 =	simm.s32 @p2 $0x1  }
0x17: {  	s4 =	simm.s32 $0x1BF5;
	[smem:$0x3FBB] =	sst s0  }
0x18: {  	s0 =	sld [smem:$0x3F9E];
	_ =	swait.ge [sflag:s4], $0x0  }
0x19: {  	s7 =	sld [smem:$0x3F9F]  }
0x1a: {  	s8 =	sadd.s32 $0xFFFFE003, lr  }
0x1b: {  	s9 =	sadd.s32 $0xFFFFFEF7, lr;
	s5 =	simm.s32 $0xFFFFFFFF;
	p2 =	slt.u32 s8, $0xFFFFF086  }
0x1c: {  	p1 =	slt.u32 s9, $0xF7A;
	s5 =	simm.s32 @!p2 $0x0  }
0x1d: {  	s5 =	simm.s32 @p1 $0x1;
	p0 =	seq.s32 s7, s2  }
0x1e: {  	s7 =	smul.u32 @!p0 $0xF7A, s2;
	p2 =	seq.s32 @!p0 s5, $0x0  }
0x1f: {  	s9 =	smul.u32 $0xF7A, s1;
	s8 =	simm.s32 @!p0 $0x1BF5;
	p2 =	por !p2, p0  }
0x20: {  	[sflag:s8] =	ssyncset.s32 @!p0 $0xFFFFF086;
	s6 =	sadd.s32 @!p0 s3, s7;
	s7 =	simm.s32 @!p0 $0x108  }
0x21: {  	s3 =	sadd.s32 s3, s9;
	s6 =	sadd.s32 @!p0 $0x88, s6;
	s7 =	simm.s32 @p2 $0x1082  }
0x22: {  	[simem:s7], [sflag:s8] =	dma.local @!p0 [hbm:s6], $0xF7A  }
0x23: {  	s9 =	sor.u32 $0xD0000000, s2;
	s6 =	simm.s32 $0x108;
	_ =	swait.ge @!p0 [sflag:s8], $0x0  }
0x24: {  	s3 =	sadd.s32 $0x88, s3;
	s6 =	simm.s32 @!p1 $0x1082;
	[sflag:s4] =	ssyncset.s32 $0xFFFFF086  }
0x25: {  	[simem:s6], [sflag:s4] =	dma.local [hbm:s3], $0xF7A  }
0x26: {  	[smem:$0x3F9F] =	sst s1;
	(tag) =	ssettag s2;
	_ =	strace s9  }
0x27: {  	s1 =	sld [smem:$0x3FAF]  }
0x28: {  	s2 =	sld [smem:$0x3FB0]  }
0x29: {  	s4 =	sld [smem:$0x3FB2]  }
0x2a: {  	p0 =	seq.s32 s5, $0x0;
	s5 =	sld [smem:$0x3FB3]  }
0x2b: {  	s6 =	sld [smem:$0x3FB4]  }
0x2c: {  	s7 =	sld [smem:$0x3FB5]  }
0x2d: {  	s3 =	simm.s32 $0x108;
	s8 =	sld [smem:$0x3FB6]  }
0x2e: {  	s3 =	simm.s32 @!p0 $0x1082;
	s9 =	sld [smem:$0x3FB7]  }
0x2f: {  	lr =	sadd.s32 s0, s3;
	s0 =	sld [smem:$0x3FAE]  }
0x30: {  	s3 =	sld [smem:$0x3FB1]  }
0x31: {  	[smem:$0x3FBA] =	sst s10  }
0x32: {  	s10 =	sld [smem:$0x3FB8];
	_ =	sdelay $0x3  }
0x33: {  	p0 =	seq.s32 s10, $0x1;
	s10 =	sld [smem:$0x3FBA];
	_ =	sdelay $0x3  }
0x34: {  	[smem:$0x3FBA] =	sst s10  }
0x35: {  	s10 =	sld [smem:$0x3FB9];
	_ =	sdelay $0x3  }
0x36: {  	p1 =	seq.s32 s10, $0x1;
	s10 =	sld [smem:$0x3FBA];
	_ =	sdelay $0x3  }
0x37: {  	[smem:$0x3FBA] =	sst s10  }
0x38: {  	s10 =	sld [smem:$0x3FBB]  }
0x39: {  	_ = 	snop;
	(pc) =	sbr.ind lr, $3  }
0x3a: {  	_ = 	snop  }
0x3b: {  	_ = 	snop  }
0x3c: {  	p2 =	seq.s32 s10, $0x1;
	s10 =	sld [smem:$0x3FBA]  }
0x3d: {  	_ =	shalt  }
0x3e: {  	_ =	shalt  }
0x3f: {  	_ =	shalt  }
0x40: {  	_ =	shalt  }
0x41: {  	_ =	shalt  }
0x42: {  	_ =	shalt  }
0x43: {  	_ =	shalt  }
0x44: {  	_ =	shalt  }
0x45: {  	_ =	shalt  }
0x46: {  	_ =	shalt  }
0x47: {  	_ =	shalt  }
0x48: {  	_ =	shalt  }
0x49: {  	_ =	shalt  }
0x4a: {  	_ =	shalt  }
0x4b: {  	_ =	shalt  }
0x4c: {  	_ =	shalt  }
0x4d: {  	_ =	shalt  }
0x4e: {  	_ =	shalt  }
0x4f: {  	_ =	shalt  }
0x50: {  	_ =	shalt  }
0x51: {  	_ =	shalt  }
0x52: {  	_ =	shalt  }
0x53: {  	_ =	shalt  }
0x54: {  	_ =	shalt  }
0x55: {  	_ =	shalt  }
0x56: {  	_ =	shalt  }
0x57: {  	_ =	shalt  }
0x58: {  	_ =	shalt  }
0x59: {  	_ =	shalt  }
0x5a: {  	_ =	shalt  }
0x5b: {  	_ =	shalt  }
0x5c: {  	_ =	shalt  }
0x5d: {  	_ =	shalt  }
0x5e: {  	_ =	shalt  }
0x5f: {  	_ =	shalt  }
0x60: {  	_ =	shalt  }
0x61: {  	_ =	shalt  }
0x62: {  	_ =	shalt  }
0x63: {  	_ =	shalt  }
0x64: {  	_ =	shalt  }
0x65: {  	_ =	shalt  }
0x66: {  	_ =	shalt  }
0x67: {  	_ =	shalt  }
0x68: {  	_ =	shalt  }
0x69: {  	_ =	shalt  }
0x6a: {  	_ =	shalt  }
0x6b: {  	_ =	shalt  }
0x6c: {  	_ =	shalt  }
0x6d: {  	_ =	shalt  }
0x6e: {  	_ =	shalt  }
0x6f: {  	_ =	shalt  }
0x70: {  	_ =	shalt  }
0x71: {  	_ =	shalt  }
0x72: {  	_ =	shalt  }
0x73: {  	_ =	shalt  }
0x74: {  	_ =	shalt  }
0x75: {  	_ =	shalt  }
0x76: {  	_ =	shalt  }
0x77: {  	_ =	shalt  }
0x78: {  	_ =	shalt  }
0x79: {  	_ =	shalt  }
0x7a: {  	_ =	shalt  }
0x7b: {  	_ =	shalt  }
0x7c: {  	_ =	shalt  }
0x7d: {  	_ =	shalt  }
0x7e: {  	_ =	shalt  }
0x7f: {  	_ =	shalt  }
0x80: {  	_ =	shalt  }
0x81: {  	_ =	shalt  }
0x82: {  	_ =	shalt  }
0x83: {  	_ =	shalt  }
0x84: {  	_ =	shalt  }
0x85: {  	_ =	shalt  }
0x86: {  	_ =	shalt  }
0x87: {  	_ =	shalt  }
.Lfunc_end0:
.L_simem_size_0:
called_computation_lowered:
.L_overlay_start_0:
0x88: {  	s2 =	sld [smem:$0x3FD9]  }
0x89: {  	s3 =	sld [smem:$0x3FFE];
	_ =	sdelay $0x1  }
0x8a: {  	s1 =	srdreg.scid  }
0x8b: {  	s0 =	sand.u32 $0x1, s1  }
0x8c: {  	s14 =	sshll.u32 s0, $0xA;
	s2 =	sadd.s32 s3, s2  }
0x8d: {  	s2 =	sadd.s32 s2, s14  }
0x8e: {  	[smem:$0x3FC6] =	sst s2  }
0x8f: {  	_ = 	snop  }
0x90: {  	s2 =	sld [smem:$0x3FD0];
	_ =	sdelay $0x2  }
0x91: {  	s15 =	simm.s32 $0xB;
	s4 =	simm.s32 $0x10  }
0x92: {  	[smem:s4], [sflag:s15] =	dma.local [hbm:s2], $0x1  }
0x93: {  	_ =	swait.eq [sflag:s15], $0x1  }
0x94: {  	[sflag:s15] =	ssyncset.done $0x0  }
0x95: {  	[sflag:s15] =	ssyncadd.s32 $0xFFFFFFFF  }
0x96: {  	s16 =	sld [smem:$0x10];
	(tm) =	ssettm $0x1  }
0x97: {  	s17 =	sld [smem:$0x3FFB];
	_ =	sdelay $0x3  }
0x98: {  	_ =	strace s17  }
0x99: {  	s3 =	sld [smem:$0x3FFC];
	_ =	sdelay $0x3  }
0x9a: {  	_ =	strace s3  }
0x9b: {  	s3 =	sld [smem:$0x3FFD];
	_ =	sdelay $0x3  }
0x9c: {  	_ =	strace s3  }
0x9d: {  	_ =	strace $0x8FFFFFFF  }
0x9e: {  	s18 =	sld [smem:$0x3FDB];
	_ =	sdelay $0x1  }
0x9f: {  	s19 =	simm.s32 $_scs_section_size  }
0xa0: {  	s5 =	simm.s32 $_size__tile_overlayer_lowered;
	s6 =	simm.s32 $_tile_overlayer_lowered  }
0xa1: {  	s22 =	simm.s32 $0x1BFF;
	s21 =	sshll.u32 s6, $0x1;
	s3 =	sadd.s32 s19, s18  }
0xa2: {  	s7 =	simm.s32 $0x0;
	s20 =	sshll.u32 s5, $0x1;
	s5 =	sadd.s32 s21, s3  }
0xa3: {  	[timem:s7], [sflag:s22] =	dma.local [hbm:s5], s20  }
0xa4: {  	_ =	swait.ge [sflag:s22], s20  }
0xa5: {  	s4 =	ssub.s32 $0x0, s20;
	[sflag:s22] =	ssyncset.done $0x0  }
0xa6: {  	[sflag:s22] =	ssyncadd.s32 s4;
	_ =	sdelay $0x1  }
0xa7: {  	s23 =	simm.s32 $0x1B8B  }
0xa8: {  	_ =	swait.ge [sflag:s23], $0x1  }
0xa9: {  	[sflag:s23] =	ssyncset.done $0x0  }
0xaa: {  	s25 =	simm.s32 $0x1B8E;
	s24 =	sld [smem:$0x3FFE];
	[sflag:s23] =	ssyncadd.s32 $0xFFFFFFFF  }
0xab: {  	s26 =	simm.s32 $execute0_lowered;
	[smem:$0x3FD2] =	sst s25  }
0xac: {  	s5 =	sshll.u32 s26, $0x1;
	_ =	strace $0x80000046;
	[dreg:$0x1] =	wrdreg $0xFFFFFFFF  }
0xad: {  	s28 =	simm.s32 $_size_execute0_lowered;
	s3 =	sadd.s32 s3, s5;
	[dreg:$0x0] =	wrdreg $0x0  }
0xae: {  	s5 =	sshll.u32 s28, $0x1;
	[dreg:$0x2] =	wrdreg s3  }
0xaf: {  	[dreg:$0x3] =	wrdreg s5  }
0xb0: {  	[dreg:$0x4] =	wrdreg $0xC0  }
0xb1: {  	_ =	task [dreg:s7], $0x5FFFF  }
0xb2: {  	[dreg:$0x1] =	wrdreg $0xFFFFFFFF  }
0xb3: {  	[dreg:$0x0] =	wrdreg $0x60  }
0xb4: {  	[dreg:$0x2] =	wrdreg s16  }
0xb5: {  	[dreg:$0x3] =	wrdreg s24  }
0xb6: {  	[dreg:$0x4] =	wrdreg $0x9  }
0xb7: {  	_ =	task.clear_ibuf [dreg:s7], $0x5FFFF;
	_ =	strace $0x90000046  }
0xb8: {  	s29 =	simm.s32 $0x9;
	_ =	strace $0x80000048  }
0xb9: {  	_ =	swait.ge [sflag:s29], $0x1  }
0xba: {  	[sflag:s29] =	ssyncadd.s32 $0xFFFFFFFF  }
0xbb: {  	_ =	strace $0x90000048  }
0xbc: {  	_ =	sfence  }
0xbd: {  	s30 =	sld [smem:$0x0];
	_ =	sdelay $0x2  }
0xbe: {  	s31 =	sshll.u32 s1, $0xD;
	s1 =	sshrl.u32 s1, $0x2  }
0xbf: {  	s3 =	sand.u32 $0x4000, s31;
	s1 =	sadd.s32 s1, s30  }
0xc0: {  	s0 =	sor.u32 s3, s0;
	s1 =	sshll.u32 s1, $0x11  }
0xc1: {  	s0 =	sor.u32 s1, s0  }
0xc2: {  	s0 =	sadd.s32 $0x8F2B, s0  }
0xc3: {  	[sflag:s0] =	ssyncadd.remote.s32 $0x1  }
0xc4: {  	_ =	sfence.sel $0xFFFF  }
0xc5: {  	[dreg:$0x0] =	wrdreg $0xFFFFFFFF;
	(pc) =	sbr.abs _section_cstart, $3  }
0xc6: {  	[dreg:$0x1] =	wrdreg $0xFFFFFFFF  }
0xc7: {  	_ =	task.clear_ibuf [dreg:s7], $0x2FFFF;
	_ =	strace $0x9FFFFFFF  }
0xc8: {  	(tm) =	ssettm $0x7FFFFFFF  }
0xc9: {  	_ =	shalt  }
tec
execute0_lowered:
.L_overlay_start_1:
0x0: {  	(tag) =	ssettag $0x1  }
0x1: {  	s2 =	rddreg [dreg:$0x0]  }
0x2: {  	s3 =	rddreg [dreg:$0x1]  }
0x3: {  	s0 =	rddreg [dreg:$0x2];
	s1 =	srdreg.scid;
	_ =	strace $0x80000047  }
0x4: {  	s4 =	simm.s32 $0x1;
	s9 =	simm.s32 $0x3;
	s5 =	sshll.u32 s1, $0x4  }
.Ltmp0:
0x5: {  	s1 =	stileid.u32;
	s5 =	sand.u32 $0x10, s5;
	(pc) =	sbr.rel .LBB2_1-.Ltmp0, $4  }
0x6: {  	s12 =	simm.s32 $0x0;
	s10 =	simm.s32 $0x0;
	s6 =	sor.u32 s1, s5  }
0x7: {  	[sflag:s4] =	ssyncpa.u1 $0x0;
	s5 =	simm.s32 $0x2;
	s6 =	sshll.u32 s6, $0x8  }
0x8: {  	s7 =	sadd.s32 $0x400, s3;
	[sflag:s5] =	ssyncpa.u1 $0x0;
	s8 =	sadd.s32 $0x100, s6  }
0x9: {  	vm0 =	vmmov $0xff;
	vm1 =	vcmask $0x3F20;
	[sflag:s9] =	ssyncpa.u1 $0x0;
	s9 =	simm.s32 $0x100;
	s11 =	smov.u32 s6  }
.LBB2_9:
0xa: {  	p0 =	seq.s32 s10, $0x2  }
.Ltmp1:
0xb: {  	_ = 	snop;
	(pc) =	sbr.rel @p0 .LBB2_11-.Ltmp1, $1  }
0xc: {  	_ =	sdelay $0x3  }
.LBB2_10:
0xd: {  	s12 =	sadd.s32 $0x100, s11  }
0xe: {  	s13 =	smov.u32 s6;
	p0 =	slt.s32 s12, s8  }
0xf: {  	s13 =	smov.u32 @p0 s12  }
0x10: {  	s10 =	sadd.s32 $0x1, s10;
	s12 =	smov.u32 s11;
	s11 =	smov.u32 s13  }
.LBB2_1:
0x11: {  	p0 =	sne.s32 s10, $0x0  }
.Ltmp2:
0x12: {  	_ = 	snop;
	(pc) =	sbr.rel @!p0 .LBB2_2-.Ltmp2, $1  }
0x13: {  	_ =	sdelay $0x3  }
0x14: {  	s13 =	sand.u32 $0x1, s10  }
0x15: {  	p0 =	seq.s32 s13, $0x0  }
.Ltmp3:
0x16: {  	_ = 	snop;
	(pc) =	sbr.rel @p0 .LBB2_9-.Ltmp3, $1  }
0x17: {  	_ =	sdelay $0x3  }
0x18: {  	_ =	swait.ge [sflag:s5], $0x100  }
0x19: {  	[sflag:s5] =	ssyncset.done $0x0  }
0x1a: {  	s13 =	simm.s32 $0x0;
	[sflag:s5] =	ssyncadd.s32 $0xFFFFFF00  }
0x1b: {  	v0 =	vld.msk [tilespmem:s13+$0x100 ss:$0x1], $0xffff;
	_ =	sdelay $0x4  }
0x1c: {  	vm2 =	vgt.s32 v0, $0x0  }
0x1d: {  	v0 =	vnsel vm2, $0x0, v0  }
0x1e: {  	v0 =	vmin.u32 v0, $0x1FFF  }
0x1f: {  	v0 =	vshll.u32 v0, $0x4;
	_ =	sdelay $0x3  }
0x20: {  	s13 =	simm.s32 $0x8200  }
0x21: {  	[tilespmem:s13], [sflag:$0x1] =	stream.indirect_vreg.gather [hbm:s2], $0x80, v0, vm0, $0x38;
	[tilespmem:$0x10200] =	vst v63  }
0x22: {  	s14 =	simm.s32 $0x8600;
	s31 =	simm.s32 $0x10  }
0x23: {  	[tilespmem:s14], [sflag:$0x1] =	stream.indirect_vreg.gather [hbm:s2], $0x80, v0, vm1, $0x38;
	[tilespmem:$0x10200] =	vst v63  }
0x24: {  	s14 =	simm.s32 $0x80;
	v0 =	vld.msk [tilespmem:s31+$0x100 ss:$0x1], $0xffff  }
.LBB2_5:
0x25: {  	p0 =	sne.s32 s14, $0x3C0;
	_ =	sdelay $0x4  }
0x26: {  	vm2 =	vgt.s32 v0, $0x0  }
0x27: {  	v0 =	vnsel vm2, $0x0, v0  }
0x28: {  	v0 =	vmin.u32 v0, $0x1FFF  }
0x29: {  	v0 =	vshll.u32 v0, $0x4;
	_ =	sdelay $0x3  }
.Ltmp4:
0x2a: {  	s13 =	sadd.s32 $0x800, s13;
	(pc) =	sbr.rel @p0 .LBB2_5-.Ltmp4, $4  }
0x2b: {  	[tilespmem:s13], [sflag:$0x1] =	stream.indirect_vreg.gather [hbm:s2], $0x80, v0, vm0, $0x38;
	[tilespmem:$0x10200] =	vst v63  }
0x2c: {  	s15 =	sshra.s32 s14, $0x2;
	s16 =	sadd.s32 $0x400, s13  }
0x2d: {  	[tilespmem:s16], [sflag:$0x1] =	stream.indirect_vreg.gather [hbm:s2], $0x80, v0, vm1, $0x38;
	[tilespmem:$0x10200] =	vst v63  }
0x2e: {  	s14 =	sadd.s32 $0x40, s14;
	v0 =	vld.msk [tilespmem:s15+$0x100 ss:$0x1], $0xffff  }
0x2f: {  	_ =	sdelay $0x3  }
0x30: {  	vm2 =	vgt.s32 v0, $0x0  }
0x31: {  	v0 =	vnsel vm2, $0x0, v0  }
0x32: {  	v0 =	vmin.u32 v0, $0x1FFF  }
0x33: {  	v0 =	vshll.u32 v0, $0x4;
	_ =	sdelay $0x3  }
0x34: {  	s13 =	sadd.s32 $0x800, s13  }
0x35: {  	[tilespmem:s13], [sflag:$0x1] =	stream.indirect_vreg.gather [hbm:s2], $0x80, v0, vm0, $0x38;
	[tilespmem:$0x10200] =	vst v63  }
0x36: {  	s13 =	sadd.s32 $0x400, s13  }
0x37: {  	[tilespmem:s13], [sflag:$0x1] =	stream.indirect_vreg.gather [hbm:s2], $0x80, v0, vm1, $0x38;
	[tilespmem:$0x10200] =	vst v63  }
0x38: {  	s12 =	sshll.u32 s12, $0x4;
	s14 =	simm.s32 $0x80;
	_ =	swait.ge [sflag:s4], $0x8000  }
0x39: {  	s15 =	simm.s32 $0x8600;
	s12 =	sadd.s32 s12, s7;
	[sflag:s4] =	ssyncset.done $0x0  }
0x3a: {  	s16 =	sadd.s32 $0x0, s12;
	s13 =	simm.s32 $0x8200;
	[sflag:s4] =	ssyncadd.s32 $0xFFFF8000  }
.LBB2_7:
0x3b: {  	[hbm:s16] =	stream.linear.scatter [tilespmem:s13], [sflag:$0x3], $0x400, $0x38;
	[tilespmem:$0x10200] =	vst v63  }
0x3c: {  	s16 =	smov.u32 s14;
	s13 =	smov.u32 s15;
	p0 =	sne.s32 s14, $0xF80  }
.Ltmp5:
0x3d: {  	s14 =	sadd.s32 $0x80, s14;
	(pc) =	sbr.rel @p0 .LBB2_7-.Ltmp5, $2  }
0x3e: {  	_ =	sdelay $0x2  }
0x3f: {  	s15 =	sadd.s32 $0x400, s15;
	s16 =	sadd.s32 s16, s12  }
.Ltmp6:
0x40: {  	(pc) =	sbr.rel .LBB2_9-.Ltmp6, $2  }
0x41: {  	_ =	sdelay $0x2  }
0x42: {  	[hbm:s16] =	stream.linear.scatter [tilespmem:s13], [sflag:$0x3], $0x400, $0x38;
	[tilespmem:$0x10200] =	vst v63  }
.LBB2_2:
.Ltmp7:
0x43: {  	(pc) =	sbr.rel .LBB2_10-.Ltmp7, $4  }
0x44: {  	_ = 	snop  }
0x45: {  	s12 =	sshrl.u32 s11, $0x3  }
0x46: {  	s13 =	sand.u32 $0x7, s11;
	s12 =	sadd.s32 s3, s12  }
0x47: {  	[tilespmem:s9], [sflag:$0x2] =	stream.linear.gather [hbm4b:s12+s13], $0x100, $0x38;
	[tilespmem:$0x10200] =	vst v63  }
.LBB2_11:
0x48: {  	s2 =	simm.s32 $0x3  }
0x49: {  	_ =	swait.ge [sflag:s2], $0x8000  }
0x4a: {  	[sflag:s2] =	ssyncset.done $0x0  }
0x4b: {  	[sflag:s2] =	ssyncadd.s32 $0xFFFF8000  }
0x4c: {  	_ =	sfence.sel $0x180000  }
0x4d: {  	s3 =	simm.s32 $0x2;
	[bflag:$0x0] =	sbarrier.arrive $0xFFFF  }
0x4e: {  	[sflag:s3] =	ssyncpa.u1 $0x1  }
0x4f: {  	s31 =	simm.s32 $0x1;
	[sflag:s2] =	ssyncpa.u1 $0x1  }
0x50: {  	[sflag:s31] =	ssyncpa.u1 $0x1  }
0x51: {  	p0 =	sne.s32 s1, $0x0;
	_ =	strace $0x90000047  }
0x52: {  	s0 =	sadd.s32 @!p0 $0x100000, s0;
	[bflag:$0x2] =	sbarrier.arrive $0xFFFF  }
0x53: {  	[sflag:s0] =	ssyncadd.tile.s32 @!p0 $0x1;
	_ =	shalt  }
.Lfunc_end2:
_tile_overlayer_lowered:
.L_overlay_start_2:
0x54: {  	(tag) =	ssettag $0x2  }
0x55: {  	s0 =	rddreg [dreg:$0x0];
	s2 =	stileid.u32  }
0x56: {  	s1 =	rddreg [dreg:$0x1];
	p0 =	sne.s32 s2, $0x0  }
0x57: {  	s3 =	rddreg [dreg:$0x2];
	[bflag:$0x3] =	sbarrier.arrive $0xFFFF;
	s2 =	simm.s32 @!p0 $0x1C01  }
0x58: {  	[timem:s3], [sflag:s2] =	dma.local @!p0 [hbm:s0], s1  }
0x59: {  	s0 =	simm.s32 @!p0 $0x1  }
0x5a: {  	_ =	swait.ge @!p0 [sflag:s0], s1  }
0x5b: {  	s1 =	ssub.s32 @!p0 $0x0, s1;
	[sflag:s0] =	ssyncset.done @!p0 $0x0  }
0x5c: {  	[sflag:s0] =	ssyncadd.s32 @!p0 s1  }
0x5d: {  	[bflag:$0x3] =	sbarrier.arrive $0xFFFF  }
0x5e: {  	_ =	shalt  }

// kernel: kernel.4.cloned.1.call-start
scs
__scs_entry_jumppad:
0x0: {  	(pc) =	sbr.rel $0x88, $3  }
0x1: {  	(tag) =	ssettag $0x0;
	lr =	simm.s32 $0x1  }
0x2: {  	[smem:$0x3F9F] =	sst lr;
	_ =	strace $0xD0000000  }
0x3: {  	_ = 	snop  }
0x4: {  	_ = 	snop  }
0x5: {  	_ = 	snop  }
0x6: {  	_ = 	snop  }
0x7: {  	_ = 	snop  }
__scs_overlays_trampoline_lowered:
0x8: {  	[smem:$0x3FAE] =	sst s0  }
0x9: {  	[smem:$0x3FAF] =	sst s1  }
0xa: {  	[smem:$0x3FB0] =	sst s2  }
0xb: {  	[smem:$0x3FB1] =	sst s3  }
0xc: {  	[smem:$0x3FB2] =	sst s4  }
0xd: {  	[smem:$0x3FB3] =	sst s5  }
0xe: {  	[smem:$0x3FB4] =	sst s6  }
0xf: {  	[smem:$0x3FB5] =	sst s7  }
0x10: {  	[smem:$0x3FB6] =	sst s8  }
0x11: {  	[smem:$0x3FB7] =	sst s9;
	s0 =	simm.s32 @!p0 $0x0  }
0x12: {  	s1 =	sld [smem:$0x3F9D];
	s0 =	simm.s32 @p0 $0x1  }
0x13: {  	[smem:$0x3FB8] =	sst s0;
	s0 =	simm.s32 @!p1 $0x0  }
0x14: {  	s2 =	sld [smem:$0x3F9C];
	s0 =	simm.s32 @p1 $0x1  }
0x15: {  	[smem:$0x3FB9] =	sst s0;
	s0 =	simm.s32 @!p2 $0x0  }
0x16: {  	s3 =	sld [smem:$0x3FDB];
	s0 =	simm.s32 @p2 $0x1  }
0x17: {  	s4 =	simm.s32 $0x1BF5;
	[smem:$0x3FBB] =	sst s0  }
0x18: {  	s0 =	sld [smem:$0x3F9E];
	_ =	swait.ge [sflag:s4], $0x0  }
0x19: {  	s7 =	sld [smem:$0x3F9F]  }
0x1a: {  	s8 =	sadd.s32 $0xFFFFE003, lr  }
0x1b: {  	s9 =	sadd.s32 $0xFFFFFEF7, lr;
	s5 =	simm.s32 $0xFFFFFFFF;
	p2 =	slt.u32 s8, $0xFFFFF086  }
0x1c: {  	p1 =	slt.u32 s9, $0xF7A;
	s5 =	simm.s32 @!p2 $0x0  }
0x1d: {  	s5 =	simm.s32 @p1 $0x1;
	p0 =	seq.s32 s7, s2  }
0x1e: {  	s7 =	smul.u32 @!p0 $0xF7A, s2;
	p2 =	seq.s32 @!p0 s5, $0x0  }
0x1f: {  	s9 =	smul.u32 $0xF7A, s1;
	s8 =	simm.s32 @!p0 $0x1BF5;
	p2 =	por !p2, p0  }
0x20: {  	[sflag:s8] =	ssyncset.s32 @!p0 $0xFFFFF086;
	s6 =	sadd.s32 @!p0 s3, s7;
	s7 =	simm.s32 @!p0 $0x108  }
0x21: {  	s3 =	sadd.s32 s3, s9;
	s6 =	sadd.s32 @!p0 $0x88, s6;
	s7 =	simm.s32 @p2 $0x1082  }
0x22: {  	[simem:s7], [sflag:s8] =	dma.local @!p0 [hbm:s6], $0xF7A  }
0x23: {  	s9 =	sor.u32 $0xD0000000, s2;
	s6 =	simm.s32 $0x108;
	_ =	swait.ge @!p0 [sflag:s8], $0x0  }
0x24: {  	s3 =	sadd.s32 $0x88, s3;
	s6 =	simm.s32 @!p1 $0x1082;
	[sflag:s4] =	ssyncset.s32 $0xFFFFF086  }
0x25: {  	[simem:s6], [sflag:s4] =	dma.local [hbm:s3], $0xF7A  }
0x26: {  	[smem:$0x3F9F] =	sst s1;
	(tag) =	ssettag s2;
	_ =	strace s9  }
0x27: {  	s1 =	sld [smem:$0x3FAF]  }
0x28: {  	s2 =	sld [smem:$0x3FB0]  }
0x29: {  	s4 =	sld [smem:$0x3FB2]  }
0x2a: {  	p0 =	seq.s32 s5, $0x0;
	s5 =	sld [smem:$0x3FB3]  }
0x2b: {  	s6 =	sld [smem:$0x3FB4]  }
0x2c: {  	s7 =	sld [smem:$0x3FB5]  }
0x2d: {  	s3 =	simm.s32 $0x108;
	s8 =	sld [smem:$0x3FB6]  }
0x2e: {  	s3 =	simm.s32 @!p0 $0x1082;
	s9 =	sld [smem:$0x3FB7]  }
0x2f: {  	lr =	sadd.s32 s0, s3;
	s0 =	sld [smem:$0x3FAE]  }
0x30: {  	s3 =	sld [smem:$0x3FB1]  }
0x31: {  	[smem:$0x3FBA] =	sst s10  }
0x32: {  	s10 =	sld [smem:$0x3FB8];
	_ =	sdelay $0x3  }
0x33: {  	p0 =	seq.s32 s10, $0x1;
	s10 =	sld [smem:$0x3FBA];
	_ =	sdelay $0x3  }
0x34: {  	[smem:$0x3FBA] =	sst s10  }
0x35: {  	s10 =	sld [smem:$0x3FB9];
	_ =	sdelay $0x3  }
0x36: {  	p1 =	seq.s32 s10, $0x1;
	s10 =	sld [smem:$0x3FBA];
	_ =	sdelay $0x3  }
0x37: {  	[smem:$0x3FBA] =	sst s10  }
0x38: {  	s10 =	sld [smem:$0x3FBB]  }
0x39: {  	_ = 	snop;
	(pc) =	sbr.ind lr, $3  }
0x3a: {  	_ = 	snop  }
0x3b: {  	_ = 	snop  }
0x3c: {  	p2 =	seq.s32 s10, $0x1;
	s10 =	sld [smem:$0x3FBA]  }
0x3d: {  	_ =	shalt  }
0x3e: {  	_ =	shalt  }
0x3f: {  	_ =	shalt  }
0x40: {  	_ =	shalt  }
0x41: {  	_ =	shalt  }
0x42: {  	_ =	shalt  }
0x43: {  	_ =	shalt  }
0x44: {  	_ =	shalt  }
0x45: {  	_ =	shalt  }
0x46: {  	_ =	shalt  }
0x47: {  	_ =	shalt  }
0x48: {  	_ =	shalt  }
0x49: {  	_ =	shalt  }
0x4a: {  	_ =	shalt  }
0x4b: {  	_ =	shalt  }
0x4c: {  	_ =	shalt  }
0x4d: {  	_ =	shalt  }
0x4e: {  	_ =	shalt  }
0x4f: {  	_ =	shalt  }
0x50: {  	_ =	shalt  }
0x51: {  	_ =	shalt  }
0x52: {  	_ =	shalt  }
0x53: {  	_ =	shalt  }
0x54: {  	_ =	shalt  }
0x55: {  	_ =	shalt  }
0x56: {  	_ =	shalt  }
0x57: {  	_ =	shalt  }
0x58: {  	_ =	shalt  }
0x59: {  	_ =	shalt  }
0x5a: {  	_ =	shalt  }
0x5b: {  	_ =	shalt  }
0x5c: {  	_ =	shalt  }
0x5d: {  	_ =	shalt  }
0x5e: {  	_ =	shalt  }
0x5f: {  	_ =	shalt  }
0x60: {  	_ =	shalt  }
0x61: {  	_ =	shalt  }
0x62: {  	_ =	shalt  }
0x63: {  	_ =	shalt  }
0x64: {  	_ =	shalt  }
0x65: {  	_ =	shalt  }
0x66: {  	_ =	shalt  }
0x67: {  	_ =	shalt  }
0x68: {  	_ =	shalt  }
0x69: {  	_ =	shalt  }
0x6a: {  	_ =	shalt  }
0x6b: {  	_ =	shalt  }
0x6c: {  	_ =	shalt  }
0x6d: {  	_ =	shalt  }
0x6e: {  	_ =	shalt  }
0x6f: {  	_ =	shalt  }
0x70: {  	_ =	shalt  }
0x71: {  	_ =	shalt  }
0x72: {  	_ =	shalt  }
0x73: {  	_ =	shalt  }
0x74: {  	_ =	shalt  }
0x75: {  	_ =	shalt  }
0x76: {  	_ =	shalt  }
0x77: {  	_ =	shalt  }
0x78: {  	_ =	shalt  }
0x79: {  	_ =	shalt  }
0x7a: {  	_ =	shalt  }
0x7b: {  	_ =	shalt  }
0x7c: {  	_ =	shalt  }
0x7d: {  	_ =	shalt  }
0x7e: {  	_ =	shalt  }
0x7f: {  	_ =	shalt  }
0x80: {  	_ =	shalt  }
0x81: {  	_ =	shalt  }
0x82: {  	_ =	shalt  }
0x83: {  	_ =	shalt  }
0x84: {  	_ =	shalt  }
0x85: {  	_ =	shalt  }
0x86: {  	_ =	shalt  }
0x87: {  	_ =	shalt  }
.Lfunc_end0:
.L_simem_size_0:
called_computation.1_lowered:
.L_overlay_start_0:
0x88: {  	s2 =	sld [smem:$0x3FD9]  }
0x89: {  	s3 =	sld [smem:$0x3FFE];
	_ =	sdelay $0x1  }
0x8a: {  	s1 =	srdreg.scid  }
0x8b: {  	s0 =	sand.u32 $0x1, s1  }
0x8c: {  	s15 =	sshll.u32 s0, $0xA;
	s2 =	sadd.s32 s3, s2  }
0x8d: {  	s2 =	sadd.s32 s2, s15  }
0x8e: {  	[smem:$0x3FC6] =	sst s2  }
0x8f: {  	_ = 	snop  }
0x90: {  	s2 =	sld [smem:$0x3FD0];
	_ =	sdelay $0x2  }
0x91: {  	s16 =	simm.s32 $0xB;
	s4 =	simm.s32 $0x10  }
0x92: {  	[smem:s4], [sflag:s16] =	dma.local [hbm:s2], $0x1  }
0x93: {  	_ =	swait.eq [sflag:s16], $0x1  }
0x94: {  	[sflag:s16] =	ssyncset.done $0x0  }
0x95: {  	[sflag:s16] =	ssyncadd.s32 $0xFFFFFFFF  }
0x96: {  	s17 =	sld [smem:$0x13];
	(tm) =	ssettm $0x1  }
0x97: {  	s18 =	sld [smem:$0x3FFB];
	_ =	sdelay $0x3  }
0x98: {  	_ =	strace s18  }
0x99: {  	s2 =	sld [smem:$0x3FFC];
	_ =	sdelay $0x3  }
0x9a: {  	_ =	strace s2  }
0x9b: {  	s2 =	sld [smem:$0x3FFD];
	_ =	sdelay $0x3  }
0x9c: {  	_ =	strace s2  }
0x9d: {  	_ =	strace $0x8FFFFFFF  }
0x9e: {  	s19 =	sld [smem:$0x3FDB];
	_ =	sdelay $0x1  }
0x9f: {  	s20 =	simm.s32 $_scs_section_size  }
0xa0: {  	s5 =	simm.s32 $_size__tile_overlayer_lowered;
	s6 =	simm.s32 $_tile_overlayer_lowered  }
0xa1: {  	s7 =	simm.s32 $0x1BFF;
	s21 =	sshll.u32 s6, $0x1;
	s4 =	sadd.s32 s20, s19  }
0xa2: {  	s22 =	simm.s32 $0x0;
	s5 =	sshll.u32 s5, $0x1;
	s6 =	sadd.s32 s21, s4  }
0xa3: {  	[timem:s22], [sflag:s7] =	dma.local [hbm:s6], s5  }
0xa4: {  	_ =	swait.ge [sflag:s7], s5  }
0xa5: {  	s5 =	ssub.s32 $0x0, s5;
	[sflag:s7] =	ssyncset.done $0x0  }
0xa6: {  	[sflag:s7] =	ssyncadd.s32 s5;
	_ =	sdelay $0x1  }
0xa7: {  	s23 =	simm.s32 $0x1B8B  }
0xa8: {  	_ =	swait.ge [sflag:s23], $0x1  }
0xa9: {  	[sflag:s23] =	ssyncset.done $0x0  }
0xaa: {  	[sflag:s23] =	ssyncadd.s32 $0xFFFFFFFF  }
0xab: {  	s5 =	sld [smem:$0x0]  }
0xac: {  	s6 =	sand.u32 $0xFFFFFFFE, s1  }
0xad: {  	p0 =	sne.s32 s1, s6  }
0xae: {  	s6 =	sshll.u32 @p0 s6, $0xE  }
0xaf: {  	s6 =	sadd.s32 @p0 $0x11B8D, s6;
	s7 =	sshll.u32 @p0 s5, $0x11  }
0xb0: {  	s6 =	sor.u32 @p0 s7, s6  }
0xb1: {  	[sflag:s6] =	ssyncadd.remote.s32 @p0 $0x1;
	_ =	sdelay $0x1  }
0xb2: {  	s6 =	simm.s32 @p0 $0x1B8D  }
0xb3: {  	_ =	swait.eq @p0 [sflag:s6], $0x1  }
0xb4: {  	[sflag:s6] =	ssyncadd.s32 @p0 $0xFFFFFFFF  }
0xb5: {  	s7 =	sshll.u32 @!p0 s1, $0xE  }
0xb6: {  	s7 =	sor.u32 @!p0 $0x4000, s7;
	s6 =	simm.s32 @!p0 $0x1B8D  }
0xb7: {  	s5 =	sshll.u32 @!p0 s5, $0x11;
	s7 =	sadd.s32 @!p0 $0x11B8D, s7;
	_ =	swait.eq @!p0 [sflag:s6], $0x1  }
0xb8: {  	s5 =	sor.u32 @!p0 s5, s7;
	[sflag:s6] =	ssyncadd.s32 @!p0 $0xFFFFFFFF  }
0xb9: {  	s25 =	simm.s32 $0x1B8E;
	s24 =	sld [smem:$0x3FFE];
	[sflag:s5] =	ssyncadd.remote.s32 @!p0 $0x1  }
0xba: {  	s26 =	simm.s32 $execute0_lowered;
	[smem:$0x3FD2] =	sst s25  }
0xbb: {  	s6 =	sshll.u32 s26, $0x1;
	_ =	strace $0x80000049;
	[dreg:$0x1] =	wrdreg $0xFFFFFFFF  }
0xbc: {  	s28 =	simm.s32 $_size_execute0_lowered;
	s4 =	sadd.s32 s4, s6;
	[dreg:$0x0] =	wrdreg $0x0  }
0xbd: {  	s6 =	sshll.u32 s28, $0x1;
	[dreg:$0x2] =	wrdreg s4  }
0xbe: {  	[dreg:$0x3] =	wrdreg s6  }
0xbf: {  	[dreg:$0x4] =	wrdreg $0xC0  }
0xc0: {  	_ =	task [dreg:s22], $0x5FFFF  }
0xc1: {  	[dreg:$0x1] =	wrdreg $0xFFFFFFFF  }
0xc2: {  	[dreg:$0x0] =	wrdreg $0x60  }
0xc3: {  	[dreg:$0x2] =	wrdreg s17  }
0xc4: {  	[dreg:$0x3] =	wrdreg s24  }
0xc5: {  	[dreg:$0x4] =	wrdreg $0x84000  }
0xc6: {  	[dreg:$0x5] =	wrdreg $0xA  }
0xc7: {  	_ =	task.clear_ibuf [dreg:s22], $0x6FFFF;
	_ =	strace $0x90000049  }
0xc8: {  	s29 =	simm.s32 $0xA;
	_ =	strace $0x8000004B  }
0xc9: {  	_ =	swait.ge [sflag:s29], $0x1  }
0xca: {  	[sflag:s29] =	ssyncadd.s32 $0xFFFFFFFF  }
0xcb: {  	_ =	strace $0x9000004B  }
0xcc: {  	_ =	sfence  }
0xcd: {  	s30 =	sld [smem:$0x0];
	_ =	sdelay $0x2  }
0xce: {  	s31 =	sshll.u32 s1, $0xD;
	s1 =	sshrl.u32 s1, $0x2  }
0xcf: {  	s4 =	sand.u32 $0x4000, s31;
	s1 =	sadd.s32 s1, s30  }
0xd0: {  	s0 =	sor.u32 s4, s0;
	s1 =	sshll.u32 s1, $0x11  }
0xd1: {  	s0 =	sor.u32 s1, s0  }
0xd2: {  	s0 =	sadd.s32 $0x8F2B, s0  }
0xd3: {  	[sflag:s0] =	ssyncadd.remote.s32 $0x1  }
0xd4: {  	_ =	sfence.sel $0xFFFF  }
0xd5: {  	[dreg:$0x0] =	wrdreg $0xFFFFFFFF;
	(pc) =	sbr.abs _section_cstart, $3  }
0xd6: {  	[dreg:$0x1] =	wrdreg $0xFFFFFFFF  }
0xd7: {  	_ =	task.clear_ibuf [dreg:s22], $0x2FFFF;
	_ =	strace $0x9FFFFFFF  }
0xd8: {  	(tm) =	ssettm $0x7FFFFFFF  }
0xd9: {  	_ =	shalt  }
tec
execute0_lowered:
.L_overlay_start_1:
0x0: {  	(tag) =	ssettag $0x1  }
0x1: {  	s6 =	rddreg [dreg:$0x0]  }
0x2: {  	s5 =	rddreg [dreg:$0x1]  }
0x3: {  	s1 =	rddreg [dreg:$0x2]  }
0x4: {  	s0 =	rddreg [dreg:$0x3];
	s2 =	simm.s32 $0x0;
	s3 =	srdreg.scid  }
0x5: {  	s14 =	simm.s32 $0x8200;
	s15 =	simm.s32 $0x100;
	s16 =	simm.s32 $0x4100  }
0x6: {  	s17 =	simm.s32 $0x1;
	s18 =	simm.s32 $0x8100;
	s19 =	simm.s32 $0x8180  }
0x7: {  	s22 =	simm.s32 $0x20;
	s23 =	simm.s32 $0x10;
	[smem:$0x7FF] =	sst s2  }
0x8: {  	s4 =	sadd.s32 $0x20400, s5;
	s9 =	sadd.s32 $0x40400, s5;
	s7 =	sand.u32 $0x1, s3  }
0x9: {  	s3 =	stileid.u32;
	_ =	strace $0x8000004A;
	s8 =	sshll.u32 s7, $0x4  }
0xa: {  	s10 =	sshll.u32 s7, $0xC;
	s11 =	sshll.u32 s3, $0x8;
	s26 =	ssub.s32 $0x2, s7  }
0xb: {  	s30 =	sshll.u32 s3, $0x7;
	s31 =	sshll.u32 s3, $0x9;
	s20 =	sshll.u32 s3, $0x6  }
0xc: {  	s12 =	sadd.s32 s8, s5;
	s28 =	sor.u32 s11, s10;
	s7 =	sshrl.u32 s26, $0x1  }
0xd: {  	s20 =	sor.u32 $0x1C02, s20;
	s10 =	sshrl.u32 s28, $0x3;
	s11 =	sor.u32 $0x80, s28  }
0xe: {  	s13 =	ssub.s32 s26, s7;
	s7 =	sadd.s32 s31, s1;
	s8 =	sshll.u32 s28, $0x4  }
0xf: {  	s5 =	sadd.s32 s6, s10;
	s29 =	sshrl.u32 s11, $0x3;
	s11 =	sshll.u32 s11, $0x4  }
0x10: {  	s8 =	sadd.s32 s9, s8;
	s10 =	sadd.s32 s30, s12;
	s12 =	simm.s32 $0x2  }
0x11: {  	s21 =	sshrl.u32 s7, $0x3;
	s6 =	sadd.s32 s6, s29;
	s9 =	sadd.s32 s9, s11  }
0x12: {  	v0 =	vimm.f32 $0.0e+00;
	v1 =	vimm.f32 $1.000000000e+00;
	s10 =	sadd.s32 $0x60400, s10;
	s11 =	smax.u32 s13, $0x1;
	s13 =	simm.s32 $0x80  }
.LBB2_1:
0x13: {  	[tilespmem:s2], [sflag:$0x2] =	stream.linear.gather [hbm4b:s5+s2], $0x80, $0x38;
	[tilespmem:$0x8600] =	vst v63  }
0x14: {  	_ =	swait.ge [sflag:s12], $0x80  }
0x15: {  	[sflag:s12] =	ssyncset.done $0x0  }
0x16: {  	[sflag:s12] =	ssyncadd.s32 $0xFFFFFF80  }
0x17: {  	[tilespmem:s13], [sflag:$0x2] =	stream.linear.gather [hbm4b:s6+s2], $0x80, $0x38;
	[tilespmem:$0x8600] =	vst v63  }
0x18: {  	_ =	swait.ge [sflag:s12], $0x80  }
0x19: {  	[sflag:s12] =	ssyncset.done $0x0  }
0x1a: {  	[sflag:s12] =	ssyncadd.s32 $0xFFFFFF80  }
0x1b: {  	[tilespmem:$0x8200] =	vst v0  }
0x1c: {  	[tilespmem:$0x8210] =	vst v0  }
0x1d: {  	[tilespmem:$0x8220] =	vst v0  }
0x1e: {  	[tilespmem:$0x8230] =	vst v0  }
0x1f: {  	[tilespmem:$0x8240] =	vst v0  }
0x20: {  	[tilespmem:$0x8250] =	vst v0  }
0x21: {  	[tilespmem:$0x8260] =	vst v0  }
0x22: {  	[tilespmem:$0x8270] =	vst v0  }
0x23: {  	[tilespmem:$0x8280] =	vst v0  }
0x24: {  	[tilespmem:$0x8290] =	vst v0  }
0x25: {  	[tilespmem:$0x82A0] =	vst v0  }
0x26: {  	[tilespmem:$0x82B0] =	vst v0  }
0x27: {  	[tilespmem:$0x82C0] =	vst v0  }
0x28: {  	[tilespmem:$0x82D0] =	vst v0  }
0x29: {  	[tilespmem:$0x82E0] =	vst v0  }
0x2a: {  	[tilespmem:$0x82F0] =	vst v0  }
0x2b: {  	[tilespmem:$0x8300] =	vst v0  }
0x2c: {  	[tilespmem:$0x8310] =	vst v0  }
0x2d: {  	[tilespmem:$0x8320] =	vst v0  }
0x2e: {  	[tilespmem:$0x8330] =	vst v0  }
0x2f: {  	[tilespmem:$0x8340] =	vst v0  }
0x30: {  	[tilespmem:$0x8350] =	vst v0  }
0x31: {  	[tilespmem:$0x8360] =	vst v0  }
0x32: {  	[tilespmem:$0x8370] =	vst v0  }
0x33: {  	[tilespmem:$0x8380] =	vst v0  }
0x34: {  	[tilespmem:$0x8390] =	vst v0  }
0x35: {  	[tilespmem:$0x83A0] =	vst v0  }
0x36: {  	[tilespmem:$0x83B0] =	vst v0  }
0x37: {  	[tilespmem:$0x83C0] =	vst v0  }
0x38: {  	[tilespmem:$0x83D0] =	vst v0  }
0x39: {  	[tilespmem:$0x83E0] =	vst v0  }
0x3a: {  	[tilespmem:$0x83F0] =	vst v0  }
0x3b: {  	[spmem:s7] =	stream.linear.scatter [tilespmem:s14], [sflag:$0x2], $0x200, $0x38;
	[tilespmem:$0x8600] =	vst v63  }
0x3c: {  	_ =	swait.ge [sflag:s12], $0x200  }
0x3d: {  	[sflag:s12] =	ssyncset.done $0x0  }
0x3e: {  	[sflag:s12] =	ssyncadd.s32 $0xFFFFFE00  }
0x3f: {  	[tilespmem:s15], [sflag:$0x1] =	stream.indirect.gather [hbm4b:s4+s13], $0x80, s2, s13, $0xb8;
	[tilespmem:$0x8600] =	vst v63  }
0x40: {  	_ = 	snop  }
0x41: {  	[tilespmem:s16], [sflag:$0x1] =	stream.indirect.gather [hbm4b:s4+s13], $0x80, s13, s13, $0xb8;
	[tilespmem:$0x8600] =	vst v63  }
0x42: {  	_ =	swait.ge [sflag:s17], $0x4000  }
0x43: {  	[sflag:s17] =	ssyncset.done $0x0  }
0x44: {  	[sflag:s17] =	ssyncadd.s32 $0xFFFFC000  }
0x45: {  	_ =	swait.ge [sflag:s17], $0x4000  }
0x46: {  	[sflag:s17] =	ssyncset.done $0x0  }
0x47: {  	[sflag:s17] =	ssyncadd.s32 $0xFFFFC000  }
0x48: {  	[hbm4b:s8+s2] =	stream.linear.scatter [tilespmem:s15], [sflag:$0x2], $0x4000, $0x38;
	[tilespmem:$0x8600] =	vst v63  }
0x49: {  	_ =	swait.ge [sflag:s12], $0x4000  }
0x4a: {  	[sflag:s12] =	ssyncset.done $0x0  }
0x4b: {  	[sflag:s12] =	ssyncadd.s32 $0xFFFFC000  }
0x4c: {  	[hbm4b:s9+s2] =	stream.linear.scatter [tilespmem:s16], [sflag:$0x2], $0x4000, $0x38;
	[tilespmem:$0x8600] =	vst v63  }
0x4d: {  	_ =	swait.ge [sflag:s12], $0x4000  }
0x4e: {  	[sflag:s12] =	ssyncset.done $0x0  }
0x4f: {  	[sflag:s12] =	ssyncadd.s32 $0xFFFFC000  }
0x50: {  	[tilespmem:$0x8100] =	vst v1  }
0x51: {  	[tilespmem:$0x8110] =	vst v1  }
0x52: {  	[tilespmem:$0x8120] =	vst v1  }
0x53: {  	[tilespmem:$0x8130] =	vst v1  }
0x54: {  	[tilespmem:$0x8140] =	vst v1  }
0x55: {  	[tilespmem:$0x8150] =	vst v1  }
0x56: {  	[tilespmem:$0x8160] =	vst v1  }
0x57: {  	[tilespmem:$0x8170] =	vst v1  }
0x58: {  	[tilespmem:$0x8180] =	vst v1  }
0x59: {  	[tilespmem:$0x8190] =	vst v1  }
0x5a: {  	[tilespmem:$0x81A0] =	vst v1  }
0x5b: {  	[tilespmem:$0x81B0] =	vst v1  }
0x5c: {  	[tilespmem:$0x81C0] =	vst v1  }
0x5d: {  	[tilespmem:$0x81D0] =	vst v1  }
0x5e: {  	[tilespmem:$0x81E0] =	vst v1  }
0x5f: {  	[tilespmem:$0x81F0] =	vst v1  }
0x60: {  	[bflag:$0x0] =	sbarrier.arrive $0xFFFF  }
0x61: {  	[spmem:s1] =	stream.indirect.scatter.add.f32 [tilespmem:s18], [sflag:$0x2], $0x1, s2, s13, $0xb8;
	[tilespmem:$0x8600] =	vst v63  }
0x62: {  	_ =	swait.ge [sflag:s12], $0x80  }
0x63: {  	[sflag:s12] =	ssyncset.done $0x0  }
0x64: {  	[sflag:s12] =	ssyncadd.s32 $0xFFFFFF80  }
0x65: {  	[spmem:s1] =	stream.indirect.scatter.add.f32 [tilespmem:s19], [sflag:$0x2], $0x1, s13, s13, $0xb8;
	[tilespmem:$0x8600] =	vst v63  }
0x66: {  	_ =	swait.ge [sflag:s12], $0x80  }
0x67: {  	[sflag:s12] =	ssyncset.done $0x0  }
0x68: {  	p0 =	sne.s32 s11, $0x1;
	[sflag:s12] =	ssyncadd.s32 $0xFFFFFF80  }
.Ltmp0:
0x69: {  	[bflag:$0x0] =	sbarrier.arrive $0xFFFF;
	(pc) =	sbr.rel @p0 .LBB2_1-.Ltmp0, $4  }
0x6a: {  	[hbm:s10@s22], [sflag:s20] =	dma.strided [spmem:s21@s23], $0x40, s17, $0x10   }
0x6b: {  	_ =	swait.ge [sflag:s12], $0x40  }
0x6c: {  	[sflag:s12] =	ssyncset.done $0x0  }
0x6d: {  	s11 =	sadd.s32 $0xFFFFFFFF, s11;
	[sflag:s12] =	ssyncadd.s32 $0xFFFFFFC0  }
0x6e: {  	_ =	sfence.sel $0x180000  }
0x6f: {  	[bflag:$0x0] =	sbarrier.arrive $0xFFFF  }
0x70: {  	p0 =	sne.s32 s3, $0x0;
	_ =	strace $0x9000004A  }
0x71: {  	s0 =	sadd.s32 @!p0 $0x100000, s0;
	[bflag:$0x2] =	sbarrier.arrive $0xFFFF  }
0x72: {  	[sflag:s0] =	ssyncadd.tile.s32 @!p0 $0x1;
	_ =	shalt  }
.Lfunc_end2:
_tile_overlayer_lowered:
.L_overlay_start_2:
0x73: {  	(tag) =	ssettag $0x2  }
0x74: {  	s0 =	rddreg [dreg:$0x0];
	s2 =	stileid.u32  }
0x75: {  	s1 =	rddreg [dreg:$0x1];
	p0 =	sne.s32 s2, $0x0  }
0x76: {  	s3 =	rddreg [dreg:$0x2];
	[bflag:$0x3] =	sbarrier.arrive $0xFFFF;
	s2 =	simm.s32 @!p0 $0x1C02  }
0x77: {  	[timem:s3], [sflag:s2] =	dma.local @!p0 [hbm:s0], s1  }
0x78: {  	s0 =	simm.s32 @!p0 $0x2  }
0x79: {  	_ =	swait.ge @!p0 [sflag:s0], s1  }
0x7a: {  	s1 =	ssub.s32 @!p0 $0x0, s1;
	[sflag:s0] =	ssyncset.done @!p0 $0x0  }
0x7b: {  	[sflag:s0] =	ssyncadd.s32 @!p0 s1  }
0x7c: {  	[bflag:$0x3] =	sbarrier.arrive $0xFFFF  }
0x7d: {  	_ =	shalt  }

</sc_bundles>
